<compile_context>
chip_gen: v7x
topology: tpu7x:2x2x1
jax: 0.10.2.dev20260603
libtpu: 0.0.44.dev20260713+nightly
codegen_flags: <defaults>
</compile_context>

<pallas_src>
import functools

import jax
import jax.numpy as jnp
import numpy as np
from jax import lax
from jax.experimental import pallas as pl
from jax.experimental.pallas import tpu as pltpu
from jax.experimental.pallas import tpu_sc as plsc

M_BUCKETS = 1 << 20
MASK = M_BUCKETS - 1
HP = (73856093, 19349669, 83492791, 49979693, 15485863)
DELTAS = (73856093, -73856093, 19349669, -19349669, 83492791, -83492791)

NC, NS, L = 2, 16, 16
NW = NC * NS
C = 2048
ZCH = M_BUCKETS // NS


def _floor_div(x, q):
    d = x / q
    t = d.astype(jnp.int32)
    tf = t.astype(jnp.float32)
    return jnp.where(tf > d, t - 1, t)


def _hash_chunk(pbuf, hbuf, base, i, n_batch, n_total, csbuf=None):
    o = i * L
    xs = pbuf[pl.ds(0 * C + o, L)]
    ys = pbuf[pl.ds(1 * C + o, L)]
    zs = pbuf[pl.ds(2 * C + o, L)]
    ts = pbuf[pl.ds(3 * C + o, L)]
    c0 = _floor_div(xs, 0.1)
    c1 = _floor_div(ys, 0.1)
    c2 = _floor_div(zs, 0.1)
    c3 = _floor_div(ts, 1.0)
    if csbuf is not None:
        csbuf[pl.ds(0 * C + o, L)] = c0.astype(jnp.float32) * 0.1
        csbuf[pl.ds(1 * C + o, L)] = c1.astype(jnp.float32) * 0.1
        csbuf[pl.ds(2 * C + o, L)] = c2.astype(jnp.float32) * 0.1
        csbuf[pl.ds(3 * C + o, L)] = c3.astype(jnp.float32) * 1.0
    gidx = base + o + lax.iota(jnp.int32, L)
    hb = jnp.zeros((L,), jnp.int32)
    b = n_batch
    while b < n_total:
        hb = hb + jnp.where(gidx >= b, HP[4], 0)
        b += n_batch
    h = (c0 * HP[0] + c1 * HP[1] + c2 * HP[2] + c3 * HP[3] + hb)
    hbuf[pl.ds(o, L)] = h & MASK


def _make_sc_kernel(n_total, n_batch, m_out):
    own = ((n_total + NW - 1) // NW + L - 1) // L * L
    srange = ((n_total + NS - 1) // NS + L - 1) // L * L
    n_own_ch = (own + C - 1) // C
    n_sc_ch = (srange + C - 1) // C
    mesh = plsc.VectorSubcoreMesh(core_axis_name="c", subcore_axis_name="s")

    def body(x0, x1, x2, x3, idx_hbm, cs0, cs1, cs2, cs3,
             pbuf, hbuf, ones, zbuf, ilist, taps, patt, csbuf, counts):
        fields = (x0, x1, x2, x3)
        cs_out = (cs0, cs1, cs2, cs3)
        cid = lax.axis_index("c")
        sid = lax.axis_index("s")
        wid = sid * NC + cid


        def fill(i, _):
            zbuf[pl.ds(i * L, L)] = jnp.zeros((L,), jnp.float32)
            ones[pl.ds(i * L, L)] = jnp.full((L,), 1.0, jnp.float32)
            return 0

        lax.fori_loop(0, C // L, fill, 0)

        def zero_counts(j, _):
            pltpu.sync_copy(zbuf, counts.at[pl.ds(sid * ZCH + j * C, C)])
            return 0

        lax.fori_loop(0, ZCH // C, zero_counts, 0)
        plsc.subcore_barrier()


        sstart = jnp.minimum(sid * srange, n_total - srange)

        def scatter_chunk(j, _):
            base = sstart + jnp.minimum(j * C, srange - C)
            for r in range(4):
                pltpu.sync_copy(fields[r].at[pl.ds(base, C)],
                                pbuf.at[pl.ds(r * C, C)])

            def hash_i(i, _):
                _hash_chunk(pbuf, hbuf, base, i, n_batch, n_total)
                return 0

            lax.fori_loop(0, C // L, hash_i, 0)
            pltpu.sync_copy(ones, counts.at[hbuf], add=True)
            return 0

        lax.fori_loop(0, n_sc_ch, scatter_chunk, 0)
        plsc.subcore_barrier()


        ostart = jnp.minimum(wid * own, n_total - own)

        def gather_chunk(j, _):
            base = ostart + jnp.minimum(j * C, own - C)
            for r in range(4):
                pltpu.sync_copy(fields[r].at[pl.ds(base, C)],
                                pbuf.at[pl.ds(r * C, C)])

            def hash_i(i, _):
                _hash_chunk(pbuf, hbuf, base, i, n_batch, n_total, csbuf)
                o = i * L
                hv = hbuf[pl.ds(o, L)]
                for k in range(6):
                    ilist[pl.ds(k * C + o, L)] = (hv + DELTAS[k]) & MASK
                return 0

            lax.fori_loop(0, C // L, hash_i, 0)
            pltpu.sync_copy(counts.at[ilist], taps)

            def patt_i(i, _):
                o = i * L
                pv = jnp.full((L,), 1, jnp.int32)
                for k in range(6):
                    tv = taps[pl.ds(k * C + o, L)]
                    pv = pv | jnp.where(tv > 0.0, 1 << (k + 1), 0)
                patt[pl.ds(o, L)] = pv
                return 0

            lax.fori_loop(0, C // L, patt_i, 0)
            pltpu.sync_copy(patt, idx_hbm.at[pl.ds(base, C)])
            for r in range(4):
                pltpu.sync_copy(csbuf.at[pl.ds(r * C, C)],
                                cs_out[r].at[pl.ds(base, C)])
            return 0

        lax.fori_loop(0, n_own_ch, gather_chunk, 0)

    return pl.kernel(
        body,
        out_type=[jax.ShapeDtypeStruct((m_out,), jnp.int32)]
        + [jax.ShapeDtypeStruct((n_total,), jnp.float32)] * 4,
        mesh=mesh,
        scratch_types=[
            pltpu.VMEM((4 * C,), jnp.float32),
            pltpu.VMEM((C,), jnp.int32),
            pltpu.VMEM((C,), jnp.float32),
            pltpu.VMEM((C,), jnp.float32),
            pltpu.VMEM((6 * C,), jnp.int32),
            pltpu.VMEM((6 * C,), jnp.float32),
            pltpu.VMEM((C,), jnp.int32),
            pltpu.VMEM((4 * C,), jnp.float32),
            pltpu.VMEM_SHARED((M_BUCKETS,), jnp.float32),
        ],
    )


def _feats_body(idx_ref, w0, b0, w1, b1, w2, b2, w3, b3, out_ref, lut_ref):
    @pl.when(pl.program_id(0) == 0)
    def _():
        p = lax.broadcasted_iota(jnp.int32, (128, 7), 0)
        k = lax.broadcasted_iota(jnp.int32, (128, 7), 1)
        pat = (((p >> k) & 1).astype(jnp.float32)) * 0.5
        x = jnp.maximum(jnp.dot(pat, w0[...], preferred_element_type=jnp.float32)
                        + b0[...], 0.0)
        x = jnp.maximum(jnp.dot(x, w1[...], preferred_element_type=jnp.float32)
                        + b1[...], 0.0)
        x = jnp.maximum(jnp.dot(x, w2[...], preferred_element_type=jnp.float32)
                        + b2[...], 0.0)
        lut_ref[...] = (jnp.dot(x, w3[...], preferred_element_type=jnp.float32)
                        + b3[...])

    idxv = idx_ref[0, 0, :].reshape(1, -1)
    oh = (idxv == lax.broadcasted_iota(jnp.int32, (128, idxv.shape[1]), 0)
          ).astype(jnp.float32)
    out_ref[...] = jnp.dot(lut_ref[...].T, oh,
                           preferred_element_type=jnp.float32)


def kernel(pcds_4d_batch, W0, b0, W1, b1, W2, b2, W3, b3):
    B, N, _ = pcds_4d_batch.shape
    n_total = B * N
    flat = pcds_4d_batch.reshape(n_total, 4)

    BLK = 4096
    nb = (n_total + BLK - 1) // BLK
    m_out = nb * BLK

    fields = [flat[:, r] for r in range(4)]
    patt_idx, c0, c1, c2, c3 = _make_sc_kernel(n_total, N, m_out)(*fields)
    coords_scaled = jnp.stack([c0, c1, c2, c3], axis=-1)

    feats = pl.pallas_call(
        _feats_body,
        grid=(nb,),
        in_specs=[
            pl.BlockSpec((1, 1, BLK), lambda i: (i, 0, 0)),
            pl.BlockSpec((7, 32), lambda i: (0, 0)),
            pl.BlockSpec((1, 32), lambda i: (0, 0)),
            pl.BlockSpec((32, 128), lambda i: (0, 0)),
            pl.BlockSpec((1, 128), lambda i: (0, 0)),
            pl.BlockSpec((128, 32), lambda i: (0, 0)),
            pl.BlockSpec((1, 32), lambda i: (0, 0)),
            pl.BlockSpec((32, 16), lambda i: (0, 0)),
            pl.BlockSpec((1, 16), lambda i: (0, 0)),
        ],
        out_specs=pl.BlockSpec((16, BLK), lambda i: (0, i)),
        out_shape=jax.ShapeDtypeStruct((16, n_total), jnp.float32),
        scratch_shapes=[pltpu.VMEM((128, 16), jnp.float32)],
    )(patt_idx.reshape(nb, 1, BLK), W0, b0.reshape(1, 32), W1, b1.reshape(1, 128),
      W2, b2.reshape(1, 32), W3, b3.reshape(1, 16))
    point_feats = feats.T

    return point_feats, coords_scaled

# --- scband reference (transcript-rebuilt; emitter-appended) ---
"""Pipeline reference for scband-motion-encoder-4810363372447 (READ-ONLY COPY).

The authoritative reference and input builder live on the scoring server;
editing this copy changes nothing except your own understanding.
"""

import jax, jax.numpy as jnp
import numpy as np

M_BUCKETS = 1 << 20
OFFSETS = np.array([[0, 0, 0, 0], [1, 0, 0, 0], [-1, 0, 0, 0], [0, 1, 0, 0], [0, -1, 0, 0], [0, 0, 1, 0], [0, 0, -1, 0]], dtype=np.int32)
QUANT = np.array([0.1, 0.1, 0.1, 1.0], dtype=np.float32)


def _hash(coords, bidx):
    # coords: int32 [N, 4] quantized 4D voxel coords; bidx: int32 [N] batch index
    h = (coords[:, 0] * np.int32(73856093)
         + coords[:, 1] * np.int32(19349669)
         + coords[:, 2] * np.int32(83492791)
         + coords[:, 3] * np.int32(49979693)
         + bidx * np.int32(15485863))
    return jnp.mod(h, M_BUCKETS)


def setup_inputs(seed: int = 0) -> dict:
    key = jax.random.key(seed)
    ks = jax.random.split(key, 10)
    pcds_4d_batch = jax.random.normal(ks[0], (2, 500000, 4), dtype=jnp.float32) * 30.0
    W0 = jax.random.normal(ks[1], (7, 32), dtype=jnp.float32) * 0.2
    b0 = jnp.zeros((32,), dtype=jnp.float32)
    W1 = jax.random.normal(ks[2], (32, 128), dtype=jnp.float32) * 0.1
    b1 = jnp.zeros((128,), dtype=jnp.float32)
    W2 = jax.random.normal(ks[3], (128, 32), dtype=jnp.float32) * 0.1
    b2 = jnp.zeros((32,), dtype=jnp.float32)
    W3 = jax.random.normal(ks[4], (32, 16), dtype=jnp.float32) * 0.1
    b3 = jnp.zeros((16,), dtype=jnp.float32)
    return {"pcds_4d_batch": pcds_4d_batch, "W0": W0, "b0": b0, "W1": W1, "b1": b1, "W2": W2, "b2": b2, "W3": W3, "b3": b3}


def reference(pcds_4d_batch, W0, b0, W1, b1, W2, b2, W3, b3):
    B, N, _ = pcds_4d_batch.shape
    quant = jnp.asarray(QUANT)
    flat = pcds_4d_batch.reshape(-1, 4)
    bidx = jnp.repeat(jnp.arange(B, dtype=jnp.int32), N)
    # quantize 4D coordinates (torch.div(pcd, quant) + ME quantization)
    coords = jnp.floor(flat / quant).astype(jnp.int32)
    hid = _hash(coords, bidx)
    npt = flat.shape[0]
    ones = jnp.ones((npt,), dtype=jnp.float32)
    feat = 0.5 * ones  # feats = 0.5 * ones(len(pcd), 1)
    # UNWEIGHTED_AVERAGE voxelization: scatter-add then normalize by count
    cnt = jax.ops.segment_sum(ones, hid, num_segments=M_BUCKETS)
    fsum = jax.ops.segment_sum(feat, hid, num_segments=M_BUCKETS)
    fmean = fsum / jnp.maximum(cnt, 1.0)
    # sparse-conv-style neighborhood gather over 7-point kernel offsets
    neigh = []
    for k in range(OFFSETS.shape[0]):
        off = jnp.asarray(OFFSETS[k])
        ho = _hash(coords + off[None, :], bidx)
        neigh.append(jnp.take(fmean, ho, axis=0))
    x = jnp.stack(neigh, axis=-1)  # [N_total, 7]
    # MinkUNet channel stack (approximated as pointwise MLP over gathered kernel taps)
    x = jax.nn.relu(x @ W0 + b0)
    x = jax.nn.relu(x @ W1 + b1)
    x = jax.nn.relu(x @ W2 + b2)
    point_feats = x @ W3 + b3  # [N_total, feat_dim=16]
    # slice back to points is the per-point gather already done; rescale coordinates
    coords_scaled = coords.astype(jnp.float32) * quant
    return point_feats, coords_scaled

if __name__ == "__main__":
    import jax
    _d = setup_inputs()
    print(jax.jit(kernel)(*tuple(_d.values())))

</pallas_src>

<mosaic_0001>
#map = affine_map<(d0, d1) -> (0)>
module attributes {stable_mosaic.version = 14 : i64} {
  func.func @body(%arg0: i32, %arg1: i32, %arg2: memref<1000000xf32, #tpu.memory_space<hbm>>, %arg3: memref<1000000xf32, #tpu.memory_space<hbm>>, %arg4: memref<1000000xf32, #tpu.memory_space<hbm>>, %arg5: memref<1000000xf32, #tpu.memory_space<hbm>>, %arg6: memref<1003520xi32, #tpu.memory_space<hbm>>, %arg7: memref<1000000xf32, #tpu.memory_space<hbm>>, %arg8: memref<1000000xf32, #tpu.memory_space<hbm>>, %arg9: memref<1000000xf32, #tpu.memory_space<hbm>>, %arg10: memref<1000000xf32, #tpu.memory_space<hbm>>, %arg11: memref<8192xf32, #tpu.memory_space<vmem>>, %arg12: memref<2048xi32, #tpu.memory_space<vmem>>, %arg13: memref<2048xf32, #tpu.memory_space<vmem>>, %arg14: memref<2048xf32, #tpu.memory_space<vmem>>, %arg15: memref<12288xi32, #tpu.memory_space<vmem>>, %arg16: memref<12288xf32, #tpu.memory_space<vmem>>, %arg17: memref<2048xi32, #tpu.memory_space<vmem>>, %arg18: memref<8192xf32, #tpu.memory_space<vmem>>, %arg19: memref<1048576xf32, #tpu.memory_space<vmem_shared>>) attributes {dimension_semantics = [#tpu.dimension_semantics<core_parallel>, #tpu.dimension_semantics<subcore_parallel>], iteration_bounds = array<i64: 2, 16>, scalar_prefetch = 0 : i64, scratch_operands = 9 : i64, tpu.core_type = #tpu.core_type<sc_vector_subcore>, window_params = [{transform_indices = #map}, {transform_indices = #map}, {transform_indices = #map}, {transform_indices = #map}, {transform_indices = #map}, {transform_indices = #map}, {transform_indices = #map}, {transform_indices = #map}, {transform_indices = #map}]} {
    %mul3A = arith.constant 2 : i32
    %mul3A_0 = arith.muli %arg1, %mul3A : i32
    %add3A = arith.addi %mul3A_0, %arg0 : i32
    %scan3A = arith.constant 0 : i32
    %scan3A_1 = arith.constant 0 : i32
    %scan3A_2 = arith.constant 128 : i32
    %scan3A_3 = arith.addi %scan3A_1, %scan3A_2 : i32
    %scan3A_4 = arith.constant 1 : i32
    %scan3A_5 = scf.for %scan3A_36 = %scan3A_1 to %scan3A_3 step %scan3A_4 iter_args(%scan3A_37 = %scan3A) -> (i32)  : i32 {
      %broadcast_in_dim3A = arith.constant 0.000000e+00 : f32
      %broadcast_in_dim3A_38 = vector.broadcast %broadcast_in_dim3A : f32 to vector<16xf32>
      %mul3A_39 = arith.constant 16 : i32
      %mul3A_40 = arith.muli %scan3A_36, %mul3A_39 : i32
      %swap3A = arith.index_cast %mul3A_40 : i32 to index
      %swap3A_41 = tpu.vector_load %arg14[%swap3A] {strides = array<i32>} : memref<2048xf32, #tpu.memory_space<vmem>>, vector<16xf32>,
      %swap3A_42 = vector.shape_cast %swap3A_41 : vector<16xf32> to vector<16xf32>
      %swap3A_43 = vector.shape_cast %broadcast_in_dim3A_38 : vector<16xf32> to vector<16xf32>
      tpu.vector_store %arg14[%swap3A], %swap3A_43 {strides = array<i32>} : memref<2048xf32, #tpu.memory_space<vmem>>, vector<16xf32>,
      %broadcast_in_dim3A_44 = arith.constant 1.000000e+00 : f32
      %broadcast_in_dim3A_45 = vector.broadcast %broadcast_in_dim3A_44 : f32 to vector<16xf32>
      %mul3A_46 = arith.constant 16 : i32
      %mul3A_47 = arith.muli %scan3A_36, %mul3A_46 : i32
      %swap3A_48 = arith.index_cast %mul3A_47 : i32 to index
      %swap3A_49 = tpu.vector_load %arg13[%swap3A_48] {strides = array<i32>} : memref<2048xf32, #tpu.memory_space<vmem>>, vector<16xf32>,
      %swap3A_50 = vector.shape_cast %swap3A_49 : vector<16xf32> to vector<16xf32>
      %swap3A_51 = vector.shape_cast %broadcast_in_dim3A_45 : vector<16xf32> to vector<16xf32>
      tpu.vector_store %arg13[%swap3A_48], %swap3A_51 {strides = array<i32>} : memref<2048xf32, #tpu.memory_space<vmem>>, vector<16xf32>,
      %scan3A_52 = arith.constant 0 : i32
      scf.yield %scan3A_52 : i32
    }
    %scan3A_6 = arith.constant 128 : i32
    %scan3A_7 = arith.constant 0 : i32
    %scan3A_8 = arith.constant 0 : i32
    %scan3A_9 = arith.constant 32 : i32
    %scan3A_10 = arith.addi %scan3A_8, %scan3A_9 : i32
    %scan3A_11 = arith.constant 1 : i32
    %scan3A_12 = scf.for %scan3A_36 = %scan3A_8 to %scan3A_10 step %scan3A_11 iter_args(%scan3A_37 = %scan3A_7) -> (i32)  : i32 {
      %mul3A_38 = arith.constant 65536 : i32
      %mul3A_39 = arith.muli %arg1, %mul3A_38 : i32
      %mul3A_40 = arith.constant 2048 : i32
      %mul3A_41 = arith.muli %scan3A_36, %mul3A_40 : i32
      %add3A_42 = arith.addi %mul3A_39, %mul3A_41 : i32
      "tpu.region"() ({
        %run_scoped3A = tpu.sem_alloc : memref<!tpu.dma_semaphore, #tpu.memory_space<semaphore_mem>>
        %dma_start3A = tpu.memref_slice %arg19[%add3A_42] : memref<1048576xf32, #tpu.memory_space<vmem_shared>> -> memref<2048xf32, #tpu.memory_space<vmem_shared>>
        %dma_start3A_44 = tpu.memref_slice %arg19[%add3A_42] : memref<1048576xf32, #tpu.memory_space<vmem_shared>> -> memref<2048xf32, #tpu.memory_space<vmem_shared>>
        tpu.enqueue_dma source(%arg14 : memref<2048xf32, #tpu.memory_space<vmem>>) target(%dma_start3A_44 : memref<2048xf32, #tpu.memory_space<vmem_shared>>) target_semaphore(%run_scoped3A : memref<!tpu.dma_semaphore, #tpu.memory_space<semaphore_mem>>)
        %dma_wait3A = tpu.memref_slice %arg19[%add3A_42] : memref<1048576xf32, #tpu.memory_space<vmem_shared>> -> memref<2048xf32, #tpu.memory_space<vmem_shared>>
        %dma_wait3A_45 = tpu.memref_slice %arg19[%add3A_42] : memref<1048576xf32, #tpu.memory_space<vmem_shared>> -> memref<2048xf32, #tpu.memory_space<vmem_shared>>
        tpu.wait_dma2 semaphore(%run_scoped3A : memref<!tpu.dma_semaphore, #tpu.memory_space<semaphore_mem>>) src(%arg14 : memref<2048xf32, #tpu.memory_space<vmem>>) dst(%dma_wait3A_45 : memref<2048xf32, #tpu.memory_space<vmem_shared>>)
        tpu.yield
      }) : () -> ()
      %scan3A_43 = arith.constant 0 : i32
      scf.yield %scan3A_43 : i32
    }
    %scan3A_13 = arith.constant 32 : i32
    %barrier3A = arith.constant 0 : index
    tpu.barrier barrier_id(%barrier3A)
    %mul3A_14 = arith.constant 62512 : i32
    %mul3A_15 = arith.muli %arg1, %mul3A_14 : i32
    %min3A = arith.constant 937488 : i32
    %min3A_16 = arith.minsi %mul3A_15, %min3A : i32
    %scan3A_17 = arith.constant 0 : i32
    %scan3A_18 = arith.constant 0 : i32
    %scan3A_19 = arith.constant 31 : i32
    %scan3A_20 = arith.addi %scan3A_18, %scan3A_19 : i32
    %scan3A_21 = arith.constant 1 : i32
    %scan3A_22 = scf.for %scan3A_36 = %scan3A_18 to %scan3A_20 step %scan3A_21 iter_args(%scan3A_37 = %scan3A_17) -> (i32)  : i32 {
      %mul3A_38 = arith.constant 2048 : i32
      %mul3A_39 = arith.muli %scan3A_36, %mul3A_38 : i32
      %min3A_40 = arith.constant 60464 : i32
      %min3A_41 = arith.minsi %mul3A_39, %min3A_40 : i32
      %add3A_42 = arith.addi %min3A_16, %min3A_41 : i32
      "tpu.region"() ({
        %run_scoped3A = tpu.sem_alloc : memref<!tpu.dma_semaphore, #tpu.memory_space<semaphore_mem>>
        %dma_start3A = arith.constant 0 : i32
        %dma_start3A_51 = tpu.memref_slice %arg11[%dma_start3A] : memref<8192xf32, #tpu.memory_space<vmem>> -> memref<2048xf32, #tpu.memory_space<vmem>>
        %dma_start3A_52 = tpu.memref_slice %arg2[%add3A_42] : memref<1000000xf32, #tpu.memory_space<hbm>> -> memref<2048xf32, #tpu.memory_space<hbm>>
        %dma_start3A_53 = arith.constant 0 : i32
        %dma_start3A_54 = tpu.memref_slice %arg11[%dma_start3A_53] : memref<8192xf32, #tpu.memory_space<vmem>> -> memref<2048xf32, #tpu.memory_space<vmem>>
        %dma_start3A_55 = tpu.memref_slice %arg2[%add3A_42] : memref<1000000xf32, #tpu.memory_space<hbm>> -> memref<2048xf32, #tpu.memory_space<hbm>>
        tpu.enqueue_dma source(%dma_start3A_55 : memref<2048xf32, #tpu.memory_space<hbm>>) target(%dma_start3A_54 : memref<2048xf32, #tpu.memory_space<vmem>>) target_semaphore(%run_scoped3A : memref<!tpu.dma_semaphore, #tpu.memory_space<semaphore_mem>>)
        %dma_wait3A = arith.constant 0 : i32
        %dma_wait3A_56 = tpu.memref_slice %arg11[%dma_wait3A] : memref<8192xf32, #tpu.memory_space<vmem>> -> memref<2048xf32, #tpu.memory_space<vmem>>
        %dma_wait3A_57 = tpu.memref_slice %arg2[%add3A_42] : memref<1000000xf32, #tpu.memory_space<hbm>> -> memref<2048xf32, #tpu.memory_space<hbm>>
        %dma_wait3A_58 = arith.constant 0 : i32
        %dma_wait3A_59 = tpu.memref_slice %arg11[%dma_wait3A_58] : memref<8192xf32, #tpu.memory_space<vmem>> -> memref<2048xf32, #tpu.memory_space<vmem>>
        %dma_wait3A_60 = tpu.memref_slice %arg2[%add3A_42] : memref<1000000xf32, #tpu.memory_space<hbm>> -> memref<2048xf32, #tpu.memory_space<hbm>>
        tpu.wait_dma2 semaphore(%run_scoped3A : memref<!tpu.dma_semaphore, #tpu.memory_space<semaphore_mem>>) src(%dma_wait3A_60 : memref<2048xf32, #tpu.memory_space<hbm>>) dst(%dma_wait3A_59 : memref<2048xf32, #tpu.memory_space<vmem>>)
        tpu.yield
      }) : () -> ()
      "tpu.region"() ({
        %run_scoped3A = tpu.sem_alloc : memref<!tpu.dma_semaphore, #tpu.memory_space<semaphore_mem>>
        %dma_start3A = arith.constant 2048 : i32
        %dma_start3A_51 = tpu.memref_slice %arg11[%dma_start3A] : memref<8192xf32, #tpu.memory_space<vmem>> -> memref<2048xf32, #tpu.memory_space<vmem>>
        %dma_start3A_52 = tpu.memref_slice %arg3[%add3A_42] : memref<1000000xf32, #tpu.memory_space<hbm>> -> memref<2048xf32, #tpu.memory_space<hbm>>
        %dma_start3A_53 = arith.constant 2048 : i32
        %dma_start3A_54 = tpu.memref_slice %arg11[%dma_start3A_53] : memref<8192xf32, #tpu.memory_space<vmem>> -> memref<2048xf32, #tpu.memory_space<vmem>>
        %dma_start3A_55 = tpu.memref_slice %arg3[%add3A_42] : memref<1000000xf32, #tpu.memory_space<hbm>> -> memref<2048xf32, #tpu.memory_space<hbm>>
        tpu.enqueue_dma source(%dma_start3A_55 : memref<2048xf32, #tpu.memory_space<hbm>>) target(%dma_start3A_54 : memref<2048xf32, #tpu.memory_space<vmem>>) target_semaphore(%run_scoped3A : memref<!tpu.dma_semaphore, #tpu.memory_space<semaphore_mem>>)
        %dma_wait3A = arith.constant 2048 : i32
        %dma_wait3A_56 = tpu.memref_slice %arg11[%dma_wait3A] : memref<8192xf32, #tpu.memory_space<vmem>> -> memref<2048xf32, #tpu.memory_space<vmem>>
        %dma_wait3A_57 = tpu.memref_slice %arg3[%add3A_42] : memref<1000000xf32, #tpu.memory_space<hbm>> -> memref<2048xf32, #tpu.memory_space<hbm>>
        %dma_wait3A_58 = arith.constant 2048 : i32
        %dma_wait3A_59 = tpu.memref_slice %arg11[%dma_wait3A_58] : memref<8192xf32, #tpu.memory_space<vmem>> -> memref<2048xf32, #tpu.memory_space<vmem>>
        %dma_wait3A_60 = tpu.memref_slice %arg3[%add3A_42] : memref<1000000xf32, #tpu.memory_space<hbm>> -> memref<2048xf32, #tpu.memory_space<hbm>>
        tpu.wait_dma2 semaphore(%run_scoped3A : memref<!tpu.dma_semaphore, #tpu.memory_space<semaphore_mem>>) src(%dma_wait3A_60 : memref<2048xf32, #tpu.memory_space<hbm>>) dst(%dma_wait3A_59 : memref<2048xf32, #tpu.memory_space<vmem>>)
        tpu.yield
      }) : () -> ()
      "tpu.region"() ({
        %run_scoped3A = tpu.sem_alloc : memref<!tpu.dma_semaphore, #tpu.memory_space<semaphore_mem>>
        %dma_start3A = arith.constant 4096 : i32
        %dma_start3A_51 = tpu.memref_slice %arg11[%dma_start3A] : memref<8192xf32, #tpu.memory_space<vmem>> -> memref<2048xf32, #tpu.memory_space<vmem>>
        %dma_start3A_52 = tpu.memref_slice %arg4[%add3A_42] : memref<1000000xf32, #tpu.memory_space<hbm>> -> memref<2048xf32, #tpu.memory_space<hbm>>
        %dma_start3A_53 = arith.constant 4096 : i32
        %dma_start3A_54 = tpu.memref_slice %arg11[%dma_start3A_53] : memref<8192xf32, #tpu.memory_space<vmem>> -> memref<2048xf32, #tpu.memory_space<vmem>>
        %dma_start3A_55 = tpu.memref_slice %arg4[%add3A_42] : memref<1000000xf32, #tpu.memory_space<hbm>> -> memref<2048xf32, #tpu.memory_space<hbm>>
        tpu.enqueue_dma source(%dma_start3A_55 : memref<2048xf32, #tpu.memory_space<hbm>>) target(%dma_start3A_54 : memref<2048xf32, #tpu.memory_space<vmem>>) target_semaphore(%run_scoped3A : memref<!tpu.dma_semaphore, #tpu.memory_space<semaphore_mem>>)
        %dma_wait3A = arith.constant 4096 : i32
        %dma_wait3A_56 = tpu.memref_slice %arg11[%dma_wait3A] : memref<8192xf32, #tpu.memory_space<vmem>> -> memref<2048xf32, #tpu.memory_space<vmem>>
        %dma_wait3A_57 = tpu.memref_slice %arg4[%add3A_42] : memref<1000000xf32, #tpu.memory_space<hbm>> -> memref<2048xf32, #tpu.memory_space<hbm>>
        %dma_wait3A_58 = arith.constant 4096 : i32
        %dma_wait3A_59 = tpu.memref_slice %arg11[%dma_wait3A_58] : memref<8192xf32, #tpu.memory_space<vmem>> -> memref<2048xf32, #tpu.memory_space<vmem>>
        %dma_wait3A_60 = tpu.memref_slice %arg4[%add3A_42] : memref<1000000xf32, #tpu.memory_space<hbm>> -> memref<2048xf32, #tpu.memory_space<hbm>>
        tpu.wait_dma2 semaphore(%run_scoped3A : memref<!tpu.dma_semaphore, #tpu.memory_space<semaphore_mem>>) src(%dma_wait3A_60 : memref<2048xf32, #tpu.memory_space<hbm>>) dst(%dma_wait3A_59 : memref<2048xf32, #tpu.memory_space<vmem>>)
        tpu.yield
      }) : () -> ()
      "tpu.region"() ({
        %run_scoped3A = tpu.sem_alloc : memref<!tpu.dma_semaphore, #tpu.memory_space<semaphore_mem>>
        %dma_start3A = arith.constant 6144 : i32
        %dma_start3A_51 = tpu.memref_slice %arg11[%dma_start3A] : memref<8192xf32, #tpu.memory_space<vmem>> -> memref<2048xf32, #tpu.memory_space<vmem>>
        %dma_start3A_52 = tpu.memref_slice %arg5[%add3A_42] : memref<1000000xf32, #tpu.memory_space<hbm>> -> memref<2048xf32, #tpu.memory_space<hbm>>
        %dma_start3A_53 = arith.constant 6144 : i32
        %dma_start3A_54 = tpu.memref_slice %arg11[%dma_start3A_53] : memref<8192xf32, #tpu.memory_space<vmem>> -> memref<2048xf32, #tpu.memory_space<vmem>>
        %dma_start3A_55 = tpu.memref_slice %arg5[%add3A_42] : memref<1000000xf32, #tpu.memory_space<hbm>> -> memref<2048xf32, #tpu.memory_space<hbm>>
        tpu.enqueue_dma source(%dma_start3A_55 : memref<2048xf32, #tpu.memory_space<hbm>>) target(%dma_start3A_54 : memref<2048xf32, #tpu.memory_space<vmem>>) target_semaphore(%run_scoped3A : memref<!tpu.dma_semaphore, #tpu.memory_space<semaphore_mem>>)
        %dma_wait3A = arith.constant 6144 : i32
        %dma_wait3A_56 = tpu.memref_slice %arg11[%dma_wait3A] : memref<8192xf32, #tpu.memory_space<vmem>> -> memref<2048xf32, #tpu.memory_space<vmem>>
        %dma_wait3A_57 = tpu.memref_slice %arg5[%add3A_42] : memref<1000000xf32, #tpu.memory_space<hbm>> -> memref<2048xf32, #tpu.memory_space<hbm>>
        %dma_wait3A_58 = arith.constant 6144 : i32
        %dma_wait3A_59 = tpu.memref_slice %arg11[%dma_wait3A_58] : memref<8192xf32, #tpu.memory_space<vmem>> -> memref<2048xf32, #tpu.memory_space<vmem>>
        %dma_wait3A_60 = tpu.memref_slice %arg5[%add3A_42] : memref<1000000xf32, #tpu.memory_space<hbm>> -> memref<2048xf32, #tpu.memory_space<hbm>>
        tpu.wait_dma2 semaphore(%run_scoped3A : memref<!tpu.dma_semaphore, #tpu.memory_space<semaphore_mem>>) src(%dma_wait3A_60 : memref<2048xf32, #tpu.memory_space<hbm>>) dst(%dma_wait3A_59 : memref<2048xf32, #tpu.memory_space<vmem>>)
        tpu.yield
      }) : () -> ()
      %scan3A_43 = arith.constant 0 : i32
      %scan3A_44 = arith.constant 0 : i32
      %scan3A_45 = arith.constant 128 : i32
      %scan3A_46 = arith.addi %scan3A_44, %scan3A_45 : i32
      %scan3A_47 = arith.constant 1 : i32
      %scan3A_48 = scf.for %scan3A_51 = %scan3A_44 to %scan3A_46 step %scan3A_47 iter_args(%scan3A_52 = %scan3A_43) -> (i32)  : i32 {
        %mul3A_53 = arith.constant 16 : i32
        %mul3A_54 = arith.muli %scan3A_51, %mul3A_53 : i32
        %add3A_55 = arith.constant 0 : i32
        %add3A_56 = arith.addi %add3A_55, %mul3A_54 : i32
        %get3A = arith.index_cast %add3A_56 : i32 to index
        %get3A_57 = tpu.vector_load %arg11[%get3A] {strides = array<i32>} : memref<8192xf32, #tpu.memory_space<vmem>>, vector<16xf32>,
        %get3A_58 = vector.shape_cast %get3A_57 : vector<16xf32> to vector<16xf32>
        %add3A_59 = arith.constant 2048 : i32
        %add3A_60 = arith.addi %add3A_59, %mul3A_54 : i32
        %get3A_61 = arith.index_cast %add3A_60 : i32 to index
        %get3A_62 = tpu.vector_load %arg11[%get3A_61] {strides = array<i32>} : memref<8192xf32, #tpu.memory_space<vmem>>, vector<16xf32>,
        %get3A_63 = vector.shape_cast %get3A_62 : vector<16xf32> to vector<16xf32>
        %add3A_64 = arith.constant 4096 : i32
        %add3A_65 = arith.addi %add3A_64, %mul3A_54 : i32
        %get3A_66 = arith.index_cast %add3A_65 : i32 to index
        %get3A_67 = tpu.vector_load %arg11[%get3A_66] {strides = array<i32>} : memref<8192xf32, #tpu.memory_space<vmem>>, vector<16xf32>,
        %get3A_68 = vector.shape_cast %get3A_67 : vector<16xf32> to vector<16xf32>
        %add3A_69 = arith.constant 6144 : i32
        %add3A_70 = arith.addi %add3A_69, %mul3A_54 : i32
        %get3A_71 = arith.index_cast %add3A_70 : i32 to index
        %get3A_72 = tpu.vector_load %arg11[%get3A_71] {strides = array<i32>} : memref<8192xf32, #tpu.memory_space<vmem>>, vector<16xf32>,
        %get3A_73 = vector.shape_cast %get3A_72 : vector<16xf32> to vector<16xf32>
        %div3A = arith.constant 1.000000e-01 : f32
        %div3A_74 = vector.broadcast %div3A : f32 to vector<16xf32>
        %div3A_75 = arith.divf %get3A_58, %div3A_74 : vector<16xf32>
        %convert_element_type3A = arith.fptosi %div3A_75 : vector<16xf32> to vector<16xi32>
        %convert_element_type3A_76 = arith.sitofp %convert_element_type3A : vector<16xi32> to vector<16xf32>
        %gt3A = arith.cmpf ogt, %convert_element_type3A_76, %div3A_75 : vector<16xf32>
        %sub3A = arith.constant 1 : i32
        %sub3A_77 = vector.broadcast %sub3A : i32 to vector<16xi32>
        %sub3A_78 = arith.subi %convert_element_type3A, %sub3A_77 : vector<16xi32>
        %select_n3A = arith.select %gt3A, %sub3A_78, %convert_element_type3A : vector<16xi1>, vector<16xi32>
        %div3A_79 = arith.constant 1.000000e-01 : f32
        %div3A_80 = vector.broadcast %div3A_79 : f32 to vector<16xf32>
        %div3A_81 = arith.divf %get3A_63, %div3A_80 : vector<16xf32>
        %convert_element_type3A_82 = arith.fptosi %div3A_81 : vector<16xf32> to vector<16xi32>
        %convert_element_type3A_83 = arith.sitofp %convert_element_type3A_82 : vector<16xi32> to vector<16xf32>
        %gt3A_84 = arith.cmpf ogt, %convert_element_type3A_83, %div3A_81 : vector<16xf32>
        %sub3A_85 = arith.constant 1 : i32
        %sub3A_86 = vector.broadcast %sub3A_85 : i32 to vector<16xi32>
        %sub3A_87 = arith.subi %convert_element_type3A_82, %sub3A_86 : vector<16xi32>
        %select_n3A_88 = arith.select %gt3A_84, %sub3A_87, %convert_element_type3A_82 : vector<16xi1>, vector<16xi32>
        %div3A_89 = arith.constant 1.000000e-01 : f32
        %div3A_90 = vector.broadcast %div3A_89 : f32 to vector<16xf32>
        %div3A_91 = arith.divf %get3A_68, %div3A_90 : vector<16xf32>
        %convert_element_type3A_92 = arith.fptosi %div3A_91 : vector<16xf32> to vector<16xi32>
        %convert_element_type3A_93 = arith.sitofp %convert_element_type3A_92 : vector<16xi32> to vector<16xf32>
        %gt3A_94 = arith.cmpf ogt, %convert_element_type3A_93, %div3A_91 : vector<16xf32>
        %sub3A_95 = arith.constant 1 : i32
        %sub3A_96 = vector.broadcast %sub3A_95 : i32 to vector<16xi32>
        %sub3A_97 = arith.subi %convert_element_type3A_92, %sub3A_96 : vector<16xi32>
        %select_n3A_98 = arith.select %gt3A_94, %sub3A_97, %convert_element_type3A_92 : vector<16xi1>, vector<16xi32>
        %div3A_99 = arith.constant 1.000000e+00 : f32
        %div3A_100 = vector.broadcast %div3A_99 : f32 to vector<16xf32>
        %div3A_101 = arith.divf %get3A_73, %div3A_100 : vector<16xf32>
        %convert_element_type3A_102 = arith.fptosi %div3A_101 : vector<16xf32> to vector<16xi32>
        %convert_element_type3A_103 = arith.sitofp %convert_element_type3A_102 : vector<16xi32> to vector<16xf32>
        %gt3A_104 = arith.cmpf ogt, %convert_element_type3A_103, %div3A_101 : vector<16xf32>
        %sub3A_105 = arith.constant 1 : i32
        %sub3A_106 = vector.broadcast %sub3A_105 : i32 to vector<16xi32>
        %sub3A_107 = arith.subi %convert_element_type3A_102, %sub3A_106 : vector<16xi32>
        %select_n3A_108 = arith.select %gt3A_104, %sub3A_107, %convert_element_type3A_102 : vector<16xi1>, vector<16xi32>
        %add3A_109 = arith.addi %add3A_42, %mul3A_54 : i32
        %iota3A = tpu.iota {dimensions = array<i32: 0>} : vector<16xi32>
        %add3A_110 = vector.broadcast %add3A_109 : i32 to vector<16xi32>
        %add3A_111 = arith.addi %add3A_110, %iota3A : vector<16xi32>
        %broadcast_in_dim3A = arith.constant 0 : i32
        %broadcast_in_dim3A_112 = vector.broadcast %broadcast_in_dim3A : i32 to vector<16xi32>
        %ge3A = arith.constant 500000 : i32
        %ge3A_113 = vector.broadcast %ge3A : i32 to vector<16xi32>
        %ge3A_114 = arith.cmpi sge, %add3A_111, %ge3A_113 : vector<16xi32>
        %jit3A = arith.constant 15485863 : i32
        %jit3A_115 = arith.constant 0 : i32
        %broadcast_in_dim3A_116 = vector.broadcast %jit3A : i32 to vector<16xi32>
        %broadcast_in_dim3A_117 = vector.broadcast %jit3A_115 : i32 to vector<16xi32>
        %select_n3A_118 = arith.select %ge3A_114, %broadcast_in_dim3A_116, %broadcast_in_dim3A_117 : vector<16xi1>, vector<16xi32>
        %add3A_119 = arith.addi %broadcast_in_dim3A_112, %select_n3A_118 : vector<16xi32>
        %mul3A_120 = arith.constant 73856093 : i32
        %mul3A_121 = vector.broadcast %mul3A_120 : i32 to vector<16xi32>
        %mul3A_122 = arith.muli %select_n3A, %mul3A_121 : vector<16xi32>
        %mul3A_123 = arith.constant 19349669 : i32
        %mul3A_124 = vector.broadcast %mul3A_123 : i32 to vector<16xi32>
        %mul3A_125 = arith.muli %select_n3A_88, %mul3A_124 : vector<16xi32>
        %add3A_126 = arith.addi %mul3A_122, %mul3A_125 : vector<16xi32>
        %mul3A_127 = arith.constant 83492791 : i32
        %mul3A_128 = vector.broadcast %mul3A_127 : i32 to vector<16xi32>
        %mul3A_129 = arith.muli %select_n3A_98, %mul3A_128 : vector<16xi32>
        %add3A_130 = arith.addi %add3A_126, %mul3A_129 : vector<16xi32>
        %mul3A_131 = arith.constant 49979693 : i32
        %mul3A_132 = vector.broadcast %mul3A_131 : i32 to vector<16xi32>
        %mul3A_133 = arith.muli %select_n3A_108, %mul3A_132 : vector<16xi32>
        %add3A_134 = arith.addi %add3A_130, %mul3A_133 : vector<16xi32>
        %add3A_135 = arith.addi %add3A_134, %add3A_119 : vector<16xi32>
        %and3A = arith.constant 1048575 : i32
        %and3A_136 = vector.broadcast %and3A : i32 to vector<16xi32>
        %and3A_137 = arith.andi %add3A_135, %and3A_136 : vector<16xi32>
        %swap3A = arith.index_cast %mul3A_54 : i32 to index
        %swap3A_138 = tpu.vector_load %arg12[%swap3A] {strides = array<i32>} : memref<2048xi32, #tpu.memory_space<vmem>>, vector<16xi32>,
        %swap3A_139 = vector.shape_cast %swap3A_138 : vector<16xi32> to vector<16xi32>
        %swap3A_140 = vector.shape_cast %and3A_137 : vector<16xi32> to vector<16xi32>
        tpu.vector_store %arg12[%swap3A], %swap3A_140 {strides = array<i32>} : memref<2048xi32, #tpu.memory_space<vmem>>, vector<16xi32>,
        %scan3A_141 = arith.constant 0 : i32
        scf.yield %scan3A_141 : i32
      }
      %scan3A_49 = arith.constant 128 : i32
      "tpu.region"() ({
        %run_scoped3A = tpu.sem_alloc : memref<!tpu.dma_semaphore, #tpu.memory_space<semaphore_mem>>
        %dma_start3A = arith.constant 0 : i32
        %dma_start3A_51 = tpu.memref_slice %arg19[%dma_start3A] : memref<1048576xf32, #tpu.memory_space<vmem_shared>> -> memref<1048576xf32, #tpu.memory_space<vmem_shared>>
        tpu.enqueue_indirect_dma source(%arg13 : memref<2048xf32, #tpu.memory_space<vmem>>) target(%dma_start3A_51 : memref<1048576xf32, #tpu.memory_space<vmem_shared>>) offsets(%arg12 : memref<2048xi32, #tpu.memory_space<vmem>>) semaphore(%run_scoped3A : memref<!tpu.dma_semaphore, #tpu.memory_space<semaphore_mem>>) {add = true}
        %dma_wait3A = arith.constant 0 : i32
        %dma_wait3A_52 = tpu.memref_slice %arg19[%dma_wait3A] : memref<1048576xf32, #tpu.memory_space<vmem_shared>> -> memref<1048576xf32, #tpu.memory_space<vmem_shared>>
        tpu.wait_indirect_dma semaphore(%run_scoped3A : memref<!tpu.dma_semaphore, #tpu.memory_space<semaphore_mem>>) src(%arg13 : memref<2048xf32, #tpu.memory_space<vmem>>) dst(%dma_wait3A_52 : memref<1048576xf32, #tpu.memory_space<vmem_shared>>)
        tpu.yield
      }) : () -> ()
      %scan3A_50 = arith.constant 0 : i32
      scf.yield %scan3A_50 : i32
    }
    %scan3A_23 = arith.constant 31 : i32
    %barrier3A_24 = arith.constant 0 : index
    tpu.barrier barrier_id(%barrier3A_24)
    %mul3A_25 = arith.constant 31264 : i32
    %mul3A_26 = arith.muli %add3A, %mul3A_25 : i32
    %min3A_27 = arith.constant 968736 : i32
    %min3A_28 = arith.minsi %mul3A_26, %min3A_27 : i32
    %scan3A_29 = arith.constant 0 : i32
    %scan3A_30 = arith.constant 0 : i32
    %scan3A_31 = arith.constant 16 : i32
    %scan3A_32 = arith.addi %scan3A_30, %scan3A_31 : i32
    %scan3A_33 = arith.constant 1 : i32
    %scan3A_34 = scf.for %scan3A_36 = %scan3A_30 to %scan3A_32 step %scan3A_33 iter_args(%scan3A_37 = %scan3A_29) -> (i32)  : i32 {
      %mul3A_38 = arith.constant 2048 : i32
      %mul3A_39 = arith.muli %scan3A_36, %mul3A_38 : i32
      %min3A_40 = arith.constant 29216 : i32
      %min3A_41 = arith.minsi %mul3A_39, %min3A_40 : i32
      %add3A_42 = arith.addi %min3A_28, %min3A_41 : i32
      "tpu.region"() ({
        %run_scoped3A = tpu.sem_alloc : memref<!tpu.dma_semaphore, #tpu.memory_space<semaphore_mem>>
        %dma_start3A = arith.constant 0 : i32
        %dma_start3A_58 = tpu.memref_slice %arg11[%dma_start3A] : memref<8192xf32, #tpu.memory_space<vmem>> -> memref<2048xf32, #tpu.memory_space<vmem>>
        %dma_start3A_59 = tpu.memref_slice %arg2[%add3A_42] : memref<1000000xf32, #tpu.memory_space<hbm>> -> memref<2048xf32, #tpu.memory_space<hbm>>
        %dma_start3A_60 = arith.constant 0 : i32
        %dma_start3A_61 = tpu.memref_slice %arg11[%dma_start3A_60] : memref<8192xf32, #tpu.memory_space<vmem>> -> memref<2048xf32, #tpu.memory_space<vmem>>
        %dma_start3A_62 = tpu.memref_slice %arg2[%add3A_42] : memref<1000000xf32, #tpu.memory_space<hbm>> -> memref<2048xf32, #tpu.memory_space<hbm>>
        tpu.enqueue_dma source(%dma_start3A_62 : memref<2048xf32, #tpu.memory_space<hbm>>) target(%dma_start3A_61 : memref<2048xf32, #tpu.memory_space<vmem>>) target_semaphore(%run_scoped3A : memref<!tpu.dma_semaphore, #tpu.memory_space<semaphore_mem>>)
        %dma_wait3A = arith.constant 0 : i32
        %dma_wait3A_63 = tpu.memref_slice %arg11[%dma_wait3A] : memref<8192xf32, #tpu.memory_space<vmem>> -> memref<2048xf32, #tpu.memory_space<vmem>>
        %dma_wait3A_64 = tpu.memref_slice %arg2[%add3A_42] : memref<1000000xf32, #tpu.memory_space<hbm>> -> memref<2048xf32, #tpu.memory_space<hbm>>
        %dma_wait3A_65 = arith.constant 0 : i32
        %dma_wait3A_66 = tpu.memref_slice %arg11[%dma_wait3A_65] : memref<8192xf32, #tpu.memory_space<vmem>> -> memref<2048xf32, #tpu.memory_space<vmem>>
        %dma_wait3A_67 = tpu.memref_slice %arg2[%add3A_42] : memref<1000000xf32, #tpu.memory_space<hbm>> -> memref<2048xf32, #tpu.memory_space<hbm>>
        tpu.wait_dma2 semaphore(%run_scoped3A : memref<!tpu.dma_semaphore, #tpu.memory_space<semaphore_mem>>) src(%dma_wait3A_67 : memref<2048xf32, #tpu.memory_space<hbm>>) dst(%dma_wait3A_66 : memref<2048xf32, #tpu.memory_space<vmem>>)
        tpu.yield
      }) : () -> ()
      "tpu.region"() ({
        %run_scoped3A = tpu.sem_alloc : memref<!tpu.dma_semaphore, #tpu.memory_space<semaphore_mem>>
        %dma_start3A = arith.constant 2048 : i32
        %dma_start3A_58 = tpu.memref_slice %arg11[%dma_start3A] : memref<8192xf32, #tpu.memory_space<vmem>> -> memref<2048xf32, #tpu.memory_space<vmem>>
        %dma_start3A_59 = tpu.memref_slice %arg3[%add3A_42] : memref<1000000xf32, #tpu.memory_space<hbm>> -> memref<2048xf32, #tpu.memory_space<hbm>>
        %dma_start3A_60 = arith.constant 2048 : i32
        %dma_start3A_61 = tpu.memref_slice %arg11[%dma_start3A_60] : memref<8192xf32, #tpu.memory_space<vmem>> -> memref<2048xf32, #tpu.memory_space<vmem>>
        %dma_start3A_62 = tpu.memref_slice %arg3[%add3A_42] : memref<1000000xf32, #tpu.memory_space<hbm>> -> memref<2048xf32, #tpu.memory_space<hbm>>
        tpu.enqueue_dma source(%dma_start3A_62 : memref<2048xf32, #tpu.memory_space<hbm>>) target(%dma_start3A_61 : memref<2048xf32, #tpu.memory_space<vmem>>) target_semaphore(%run_scoped3A : memref<!tpu.dma_semaphore, #tpu.memory_space<semaphore_mem>>)
        %dma_wait3A = arith.constant 2048 : i32
        %dma_wait3A_63 = tpu.memref_slice %arg11[%dma_wait3A] : memref<8192xf32, #tpu.memory_space<vmem>> -> memref<2048xf32, #tpu.memory_space<vmem>>
        %dma_wait3A_64 = tpu.memref_slice %arg3[%add3A_42] : memref<1000000xf32, #tpu.memory_space<hbm>> -> memref<2048xf32, #tpu.memory_space<hbm>>
        %dma_wait3A_65 = arith.constant 2048 : i32
        %dma_wait3A_66 = tpu.memref_slice %arg11[%dma_wait3A_65] : memref<8192xf32, #tpu.memory_space<vmem>> -> memref<2048xf32, #tpu.memory_space<vmem>>
        %dma_wait3A_67 = tpu.memref_slice %arg3[%add3A_42] : memref<1000000xf32, #tpu.memory_space<hbm>> -> memref<2048xf32, #tpu.memory_space<hbm>>
        tpu.wait_dma2 semaphore(%run_scoped3A : memref<!tpu.dma_semaphore, #tpu.memory_space<semaphore_mem>>) src(%dma_wait3A_67 : memref<2048xf32, #tpu.memory_space<hbm>>) dst(%dma_wait3A_66 : memref<2048xf32, #tpu.memory_space<vmem>>)
        tpu.yield
      }) : () -> ()
      "tpu.region"() ({
        %run_scoped3A = tpu.sem_alloc : memref<!tpu.dma_semaphore, #tpu.memory_space<semaphore_mem>>
        %dma_start3A = arith.constant 4096 : i32
        %dma_start3A_58 = tpu.memref_slice %arg11[%dma_start3A] : memref<8192xf32, #tpu.memory_space<vmem>> -> memref<2048xf32, #tpu.memory_space<vmem>>
        %dma_start3A_59 = tpu.memref_slice %arg4[%add3A_42] : memref<1000000xf32, #tpu.memory_space<hbm>> -> memref<2048xf32, #tpu.memory_space<hbm>>
        %dma_start3A_60 = arith.constant 4096 : i32
        %dma_start3A_61 = tpu.memref_slice %arg11[%dma_start3A_60] : memref<8192xf32, #tpu.memory_space<vmem>> -> memref<2048xf32, #tpu.memory_space<vmem>>
        %dma_start3A_62 = tpu.memref_slice %arg4[%add3A_42] : memref<1000000xf32, #tpu.memory_space<hbm>> -> memref<2048xf32, #tpu.memory_space<hbm>>
        tpu.enqueue_dma source(%dma_start3A_62 : memref<2048xf32, #tpu.memory_space<hbm>>) target(%dma_start3A_61 : memref<2048xf32, #tpu.memory_space<vmem>>) target_semaphore(%run_scoped3A : memref<!tpu.dma_semaphore, #tpu.memory_space<semaphore_mem>>)
        %dma_wait3A = arith.constant 4096 : i32
        %dma_wait3A_63 = tpu.memref_slice %arg11[%dma_wait3A] : memref<8192xf32, #tpu.memory_space<vmem>> -> memref<2048xf32, #tpu.memory_space<vmem>>
        %dma_wait3A_64 = tpu.memref_slice %arg4[%add3A_42] : memref<1000000xf32, #tpu.memory_space<hbm>> -> memref<2048xf32, #tpu.memory_space<hbm>>
        %dma_wait3A_65 = arith.constant 4096 : i32
        %dma_wait3A_66 = tpu.memref_slice %arg11[%dma_wait3A_65] : memref<8192xf32, #tpu.memory_space<vmem>> -> memref<2048xf32, #tpu.memory_space<vmem>>
        %dma_wait3A_67 = tpu.memref_slice %arg4[%add3A_42] : memref<1000000xf32, #tpu.memory_space<hbm>> -> memref<2048xf32, #tpu.memory_space<hbm>>
        tpu.wait_dma2 semaphore(%run_scoped3A : memref<!tpu.dma_semaphore, #tpu.memory_space<semaphore_mem>>) src(%dma_wait3A_67 : memref<2048xf32, #tpu.memory_space<hbm>>) dst(%dma_wait3A_66 : memref<2048xf32, #tpu.memory_space<vmem>>)
        tpu.yield
      }) : () -> ()
      "tpu.region"() ({
        %run_scoped3A = tpu.sem_alloc : memref<!tpu.dma_semaphore, #tpu.memory_space<semaphore_mem>>
        %dma_start3A = arith.constant 6144 : i32
        %dma_start3A_58 = tpu.memref_slice %arg11[%dma_start3A] : memref<8192xf32, #tpu.memory_space<vmem>> -> memref<2048xf32, #tpu.memory_space<vmem>>
        %dma_start3A_59 = tpu.memref_slice %arg5[%add3A_42] : memref<1000000xf32, #tpu.memory_space<hbm>> -> memref<2048xf32, #tpu.memory_space<hbm>>
        %dma_start3A_60 = arith.constant 6144 : i32
        %dma_start3A_61 = tpu.memref_slice %arg11[%dma_start3A_60] : memref<8192xf32, #tpu.memory_space<vmem>> -> memref<2048xf32, #tpu.memory_space<vmem>>
        %dma_start3A_62 = tpu.memref_slice %arg5[%add3A_42] : memref<1000000xf32, #tpu.memory_space<hbm>> -> memref<2048xf32, #tpu.memory_space<hbm>>
        tpu.enqueue_dma source(%dma_start3A_62 : memref<2048xf32, #tpu.memory_space<hbm>>) target(%dma_start3A_61 : memref<2048xf32, #tpu.memory_space<vmem>>) target_semaphore(%run_scoped3A : memref<!tpu.dma_semaphore, #tpu.memory_space<semaphore_mem>>)
        %dma_wait3A = arith.constant 6144 : i32
        %dma_wait3A_63 = tpu.memref_slice %arg11[%dma_wait3A] : memref<8192xf32, #tpu.memory_space<vmem>> -> memref<2048xf32, #tpu.memory_space<vmem>>
        %dma_wait3A_64 = tpu.memref_slice %arg5[%add3A_42] : memref<1000000xf32, #tpu.memory_space<hbm>> -> memref<2048xf32, #tpu.memory_space<hbm>>
        %dma_wait3A_65 = arith.constant 6144 : i32
        %dma_wait3A_66 = tpu.memref_slice %arg11[%dma_wait3A_65] : memref<8192xf32, #tpu.memory_space<vmem>> -> memref<2048xf32, #tpu.memory_space<vmem>>
        %dma_wait3A_67 = tpu.memref_slice %arg5[%add3A_42] : memref<1000000xf32, #tpu.memory_space<hbm>> -> memref<2048xf32, #tpu.memory_space<hbm>>
        tpu.wait_dma2 semaphore(%run_scoped3A : memref<!tpu.dma_semaphore, #tpu.memory_space<semaphore_mem>>) src(%dma_wait3A_67 : memref<2048xf32, #tpu.memory_space<hbm>>) dst(%dma_wait3A_66 : memref<2048xf32, #tpu.memory_space<vmem>>)
        tpu.yield
      }) : () -> ()
      %scan3A_43 = arith.constant 0 : i32
      %scan3A_44 = arith.constant 0 : i32
      %scan3A_45 = arith.constant 128 : i32
      %scan3A_46 = arith.addi %scan3A_44, %scan3A_45 : i32
      %scan3A_47 = arith.constant 1 : i32
      %scan3A_48 = scf.for %scan3A_58 = %scan3A_44 to %scan3A_46 step %scan3A_47 iter_args(%scan3A_59 = %scan3A_43) -> (i32)  : i32 {
        %mul3A_60 = arith.constant 16 : i32
        %mul3A_61 = arith.muli %scan3A_58, %mul3A_60 : i32
        %add3A_62 = arith.constant 0 : i32
        %add3A_63 = arith.addi %add3A_62, %mul3A_61 : i32
        %get3A = arith.index_cast %add3A_63 : i32 to index
        %get3A_64 = tpu.vector_load %arg11[%get3A] {strides = array<i32>} : memref<8192xf32, #tpu.memory_space<vmem>>, vector<16xf32>,
        %get3A_65 = vector.shape_cast %get3A_64 : vector<16xf32> to vector<16xf32>
        %add3A_66 = arith.constant 2048 : i32
        %add3A_67 = arith.addi %add3A_66, %mul3A_61 : i32
        %get3A_68 = arith.index_cast %add3A_67 : i32 to index
        %get3A_69 = tpu.vector_load %arg11[%get3A_68] {strides = array<i32>} : memref<8192xf32, #tpu.memory_space<vmem>>, vector<16xf32>,
        %get3A_70 = vector.shape_cast %get3A_69 : vector<16xf32> to vector<16xf32>
        %add3A_71 = arith.constant 4096 : i32
        %add3A_72 = arith.addi %add3A_71, %mul3A_61 : i32
        %get3A_73 = arith.index_cast %add3A_72 : i32 to index
        %get3A_74 = tpu.vector_load %arg11[%get3A_73] {strides = array<i32>} : memref<8192xf32, #tpu.memory_space<vmem>>, vector<16xf32>,
        %get3A_75 = vector.shape_cast %get3A_74 : vector<16xf32> to vector<16xf32>
        %add3A_76 = arith.constant 6144 : i32
        %add3A_77 = arith.addi %add3A_76, %mul3A_61 : i32
        %get3A_78 = arith.index_cast %add3A_77 : i32 to index
        %get3A_79 = tpu.vector_load %arg11[%get3A_78] {strides = array<i32>} : memref<8192xf32, #tpu.memory_space<vmem>>, vector<16xf32>,
        %get3A_80 = vector.shape_cast %get3A_79 : vector<16xf32> to vector<16xf32>
        %div3A = arith.constant 1.000000e-01 : f32
        %div3A_81 = vector.broadcast %div3A : f32 to vector<16xf32>
        %div3A_82 = arith.divf %get3A_65, %div3A_81 : vector<16xf32>
        %convert_element_type3A = arith.fptosi %div3A_82 : vector<16xf32> to vector<16xi32>
        %convert_element_type3A_83 = arith.sitofp %convert_element_type3A : vector<16xi32> to vector<16xf32>
        %gt3A = arith.cmpf ogt, %convert_element_type3A_83, %div3A_82 : vector<16xf32>
        %sub3A = arith.constant 1 : i32
        %sub3A_84 = vector.broadcast %sub3A : i32 to vector<16xi32>
        %sub3A_85 = arith.subi %convert_element_type3A, %sub3A_84 : vector<16xi32>
        %select_n3A = arith.select %gt3A, %sub3A_85, %convert_element_type3A : vector<16xi1>, vector<16xi32>
        %div3A_86 = arith.constant 1.000000e-01 : f32
        %div3A_87 = vector.broadcast %div3A_86 : f32 to vector<16xf32>
        %div3A_88 = arith.divf %get3A_70, %div3A_87 : vector<16xf32>
        %convert_element_type3A_89 = arith.fptosi %div3A_88 : vector<16xf32> to vector<16xi32>
        %convert_element_type3A_90 = arith.sitofp %convert_element_type3A_89 : vector<16xi32> to vector<16xf32>
        %gt3A_91 = arith.cmpf ogt, %convert_element_type3A_90, %div3A_88 : vector<16xf32>
        %sub3A_92 = arith.constant 1 : i32
        %sub3A_93 = vector.broadcast %sub3A_92 : i32 to vector<16xi32>
        %sub3A_94 = arith.subi %convert_element_type3A_89, %sub3A_93 : vector<16xi32>
        %select_n3A_95 = arith.select %gt3A_91, %sub3A_94, %convert_element_type3A_89 : vector<16xi1>, vector<16xi32>
        %div3A_96 = arith.constant 1.000000e-01 : f32
        %div3A_97 = vector.broadcast %div3A_96 : f32 to vector<16xf32>
        %div3A_98 = arith.divf %get3A_75, %div3A_97 : vector<16xf32>
        %convert_element_type3A_99 = arith.fptosi %div3A_98 : vector<16xf32> to vector<16xi32>
        %convert_element_type3A_100 = arith.sitofp %convert_element_type3A_99 : vector<16xi32> to vector<16xf32>
        %gt3A_101 = arith.cmpf ogt, %convert_element_type3A_100, %div3A_98 : vector<16xf32>
        %sub3A_102 = arith.constant 1 : i32
        %sub3A_103 = vector.broadcast %sub3A_102 : i32 to vector<16xi32>
        %sub3A_104 = arith.subi %convert_element_type3A_99, %sub3A_103 : vector<16xi32>
        %select_n3A_105 = arith.select %gt3A_101, %sub3A_104, %convert_element_type3A_99 : vector<16xi1>, vector<16xi32>
        %div3A_106 = arith.constant 1.000000e+00 : f32
        %div3A_107 = vector.broadcast %div3A_106 : f32 to vector<16xf32>
        %div3A_108 = arith.divf %get3A_80, %div3A_107 : vector<16xf32>
        %convert_element_type3A_109 = arith.fptosi %div3A_108 : vector<16xf32> to vector<16xi32>
        %convert_element_type3A_110 = arith.sitofp %convert_element_type3A_109 : vector<16xi32> to vector<16xf32>
        %gt3A_111 = arith.cmpf ogt, %convert_element_type3A_110, %div3A_108 : vector<16xf32>
        %sub3A_112 = arith.constant 1 : i32
        %sub3A_113 = vector.broadcast %sub3A_112 : i32 to vector<16xi32>
        %sub3A_114 = arith.subi %convert_element_type3A_109, %sub3A_113 : vector<16xi32>
        %select_n3A_115 = arith.select %gt3A_111, %sub3A_114, %convert_element_type3A_109 : vector<16xi1>, vector<16xi32>
        %convert_element_type3A_116 = arith.sitofp %select_n3A : vector<16xi32> to vector<16xf32>
        %mul3A_117 = arith.constant 1.000000e-01 : f32
        %mul3A_118 = vector.broadcast %mul3A_117 : f32 to vector<16xf32>
        %mul3A_119 = arith.mulf %convert_element_type3A_116, %mul3A_118 : vector<16xf32>
        %add3A_120 = arith.constant 0 : i32
        %add3A_121 = arith.addi %add3A_120, %mul3A_61 : i32
        %swap3A = arith.index_cast %add3A_121 : i32 to index
        %swap3A_122 = tpu.vector_load %arg18[%swap3A] {strides = array<i32>} : memref<8192xf32, #tpu.memory_space<vmem>>, vector<16xf32>,
        %swap3A_123 = vector.shape_cast %swap3A_122 : vector<16xf32> to vector<16xf32>
        %swap3A_124 = vector.shape_cast %mul3A_119 : vector<16xf32> to vector<16xf32>
        tpu.vector_store %arg18[%swap3A], %swap3A_124 {strides = array<i32>} : memref<8192xf32, #tpu.memory_space<vmem>>, vector<16xf32>,
        %convert_element_type3A_125 = arith.sitofp %select_n3A_95 : vector<16xi32> to vector<16xf32>
        %mul3A_126 = arith.constant 1.000000e-01 : f32
        %mul3A_127 = vector.broadcast %mul3A_126 : f32 to vector<16xf32>
        %mul3A_128 = arith.mulf %convert_element_type3A_125, %mul3A_127 : vector<16xf32>
        %add3A_129 = arith.constant 2048 : i32
        %add3A_130 = arith.addi %add3A_129, %mul3A_61 : i32
        %swap3A_131 = arith.index_cast %add3A_130 : i32 to index
        %swap3A_132 = tpu.vector_load %arg18[%swap3A_131] {strides = array<i32>} : memref<8192xf32, #tpu.memory_space<vmem>>, vector<16xf32>,
        %swap3A_133 = vector.shape_cast %swap3A_132 : vector<16xf32> to vector<16xf32>
        %swap3A_134 = vector.shape_cast %mul3A_128 : vector<16xf32> to vector<16xf32>
        tpu.vector_store %arg18[%swap3A_131], %swap3A_134 {strides = array<i32>} : memref<8192xf32, #tpu.memory_space<vmem>>, vector<16xf32>,
        %convert_element_type3A_135 = arith.sitofp %select_n3A_105 : vector<16xi32> to vector<16xf32>
        %mul3A_136 = arith.constant 1.000000e-01 : f32
        %mul3A_137 = vector.broadcast %mul3A_136 : f32 to vector<16xf32>
        %mul3A_138 = arith.mulf %convert_element_type3A_135, %mul3A_137 : vector<16xf32>
        %add3A_139 = arith.constant 4096 : i32
        %add3A_140 = arith.addi %add3A_139, %mul3A_61 : i32
        %swap3A_141 = arith.index_cast %add3A_140 : i32 to index
        %swap3A_142 = tpu.vector_load %arg18[%swap3A_141] {strides = array<i32>} : memref<8192xf32, #tpu.memory_space<vmem>>, vector<16xf32>,
        %swap3A_143 = vector.shape_cast %swap3A_142 : vector<16xf32> to vector<16xf32>
        %swap3A_144 = vector.shape_cast %mul3A_138 : vector<16xf32> to vector<16xf32>
        tpu.vector_store %arg18[%swap3A_141], %swap3A_144 {strides = array<i32>} : memref<8192xf32, #tpu.memory_space<vmem>>, vector<16xf32>,
        %convert_element_type3A_145 = arith.sitofp %select_n3A_115 : vector<16xi32> to vector<16xf32>
        %mul3A_146 = arith.constant 1.000000e+00 : f32
        %mul3A_147 = vector.broadcast %mul3A_146 : f32 to vector<16xf32>
        %mul3A_148 = arith.mulf %convert_element_type3A_145, %mul3A_147 : vector<16xf32>
        %add3A_149 = arith.constant 6144 : i32
        %add3A_150 = arith.addi %add3A_149, %mul3A_61 : i32
        %swap3A_151 = arith.index_cast %add3A_150 : i32 to index
        %swap3A_152 = tpu.vector_load %arg18[%swap3A_151] {strides = array<i32>} : memref<8192xf32, #tpu.memory_space<vmem>>, vector<16xf32>,
        %swap3A_153 = vector.shape_cast %swap3A_152 : vector<16xf32> to vector<16xf32>
        %swap3A_154 = vector.shape_cast %mul3A_148 : vector<16xf32> to vector<16xf32>
        tpu.vector_store %arg18[%swap3A_151], %swap3A_154 {strides = array<i32>} : memref<8192xf32, #tpu.memory_space<vmem>>, vector<16xf32>,
        %add3A_155 = arith.addi %add3A_42, %mul3A_61 : i32
        %iota3A = tpu.iota {dimensions = array<i32: 0>} : vector<16xi32>
        %add3A_156 = vector.broadcast %add3A_155 : i32 to vector<16xi32>
        %add3A_157 = arith.addi %add3A_156, %iota3A : vector<16xi32>
        %broadcast_in_dim3A = arith.constant 0 : i32
        %broadcast_in_dim3A_158 = vector.broadcast %broadcast_in_dim3A : i32 to vector<16xi32>
        %ge3A = arith.constant 500000 : i32
        %ge3A_159 = vector.broadcast %ge3A : i32 to vector<16xi32>
        %ge3A_160 = arith.cmpi sge, %add3A_157, %ge3A_159 : vector<16xi32>
        %jit3A = arith.constant 15485863 : i32
        %jit3A_161 = arith.constant 0 : i32
        %broadcast_in_dim3A_162 = vector.broadcast %jit3A : i32 to vector<16xi32>
        %broadcast_in_dim3A_163 = vector.broadcast %jit3A_161 : i32 to vector<16xi32>
        %select_n3A_164 = arith.select %ge3A_160, %broadcast_in_dim3A_162, %broadcast_in_dim3A_163 : vector<16xi1>, vector<16xi32>
        %add3A_165 = arith.addi %broadcast_in_dim3A_158, %select_n3A_164 : vector<16xi32>
        %mul3A_166 = arith.constant 73856093 : i32
        %mul3A_167 = vector.broadcast %mul3A_166 : i32 to vector<16xi32>
        %mul3A_168 = arith.muli %select_n3A, %mul3A_167 : vector<16xi32>
        %mul3A_169 = arith.constant 19349669 : i32
        %mul3A_170 = vector.broadcast %mul3A_169 : i32 to vector<16xi32>
        %mul3A_171 = arith.muli %select_n3A_95, %mul3A_170 : vector<16xi32>
        %add3A_172 = arith.addi %mul3A_168, %mul3A_171 : vector<16xi32>
        %mul3A_173 = arith.constant 83492791 : i32
        %mul3A_174 = vector.broadcast %mul3A_173 : i32 to vector<16xi32>
        %mul3A_175 = arith.muli %select_n3A_105, %mul3A_174 : vector<16xi32>
        %add3A_176 = arith.addi %add3A_172, %mul3A_175 : vector<16xi32>
        %mul3A_177 = arith.constant 49979693 : i32
        %mul3A_178 = vector.broadcast %mul3A_177 : i32 to vector<16xi32>
        %mul3A_179 = arith.muli %select_n3A_115, %mul3A_178 : vector<16xi32>
        %add3A_180 = arith.addi %add3A_176, %mul3A_179 : vector<16xi32>
        %add3A_181 = arith.addi %add3A_180, %add3A_165 : vector<16xi32>
        %and3A = arith.constant 1048575 : i32
        %and3A_182 = vector.broadcast %and3A : i32 to vector<16xi32>
        %and3A_183 = arith.andi %add3A_181, %and3A_182 : vector<16xi32>
        %swap3A_184 = arith.index_cast %mul3A_61 : i32 to index
        %swap3A_185 = tpu.vector_load %arg12[%swap3A_184] {strides = array<i32>} : memref<2048xi32, #tpu.memory_space<vmem>>, vector<16xi32>,
        %swap3A_186 = vector.shape_cast %swap3A_185 : vector<16xi32> to vector<16xi32>
        %swap3A_187 = vector.shape_cast %and3A_183 : vector<16xi32> to vector<16xi32>
        tpu.vector_store %arg12[%swap3A_184], %swap3A_187 {strides = array<i32>} : memref<2048xi32, #tpu.memory_space<vmem>>, vector<16xi32>,
        %mul3A_188 = arith.constant 16 : i32
        %mul3A_189 = arith.muli %scan3A_58, %mul3A_188 : i32
        %get3A_190 = arith.index_cast %mul3A_189 : i32 to index
        %get3A_191 = tpu.vector_load %arg12[%get3A_190] {strides = array<i32>} : memref<2048xi32, #tpu.memory_space<vmem>>, vector<16xi32>,
        %get3A_192 = vector.shape_cast %get3A_191 : vector<16xi32> to vector<16xi32>
        %add3A_193 = arith.constant 73856093 : i32
        %add3A_194 = vector.broadcast %add3A_193 : i32 to vector<16xi32>
        %add3A_195 = arith.addi %get3A_192, %add3A_194 : vector<16xi32>
        %and3A_196 = arith.constant 1048575 : i32
        %and3A_197 = vector.broadcast %and3A_196 : i32 to vector<16xi32>
        %and3A_198 = arith.andi %add3A_195, %and3A_197 : vector<16xi32>
        %add3A_199 = arith.constant 0 : i32
        %add3A_200 = arith.addi %add3A_199, %mul3A_189 : i32
        %swap3A_201 = arith.index_cast %add3A_200 : i32 to index
        %swap3A_202 = tpu.vector_load %arg15[%swap3A_201] {strides = array<i32>} : memref<12288xi32, #tpu.memory_space<vmem>>, vector<16xi32>,
        %swap3A_203 = vector.shape_cast %swap3A_202 : vector<16xi32> to vector<16xi32>
        %swap3A_204 = vector.shape_cast %and3A_198 : vector<16xi32> to vector<16xi32>
        tpu.vector_store %arg15[%swap3A_201], %swap3A_204 {strides = array<i32>} : memref<12288xi32, #tpu.memory_space<vmem>>, vector<16xi32>,
        %add3A_205 = arith.constant -73856093 : i32
        %add3A_206 = vector.broadcast %add3A_205 : i32 to vector<16xi32>
        %add3A_207 = arith.addi %get3A_192, %add3A_206 : vector<16xi32>
        %and3A_208 = arith.constant 1048575 : i32
        %and3A_209 = vector.broadcast %and3A_208 : i32 to vector<16xi32>
        %and3A_210 = arith.andi %add3A_207, %and3A_209 : vector<16xi32>
        %add3A_211 = arith.constant 2048 : i32
        %add3A_212 = arith.addi %add3A_211, %mul3A_189 : i32
        %swap3A_213 = arith.index_cast %add3A_212 : i32 to index
        %swap3A_214 = tpu.vector_load %arg15[%swap3A_213] {strides = array<i32>} : memref<12288xi32, #tpu.memory_space<vmem>>, vector<16xi32>,
        %swap3A_215 = vector.shape_cast %swap3A_214 : vector<16xi32> to vector<16xi32>
        %swap3A_216 = vector.shape_cast %and3A_210 : vector<16xi32> to vector<16xi32>
        tpu.vector_store %arg15[%swap3A_213], %swap3A_216 {strides = array<i32>} : memref<12288xi32, #tpu.memory_space<vmem>>, vector<16xi32>,
        %add3A_217 = arith.constant 19349669 : i32
        %add3A_218 = vector.broadcast %add3A_217 : i32 to vector<16xi32>
        %add3A_219 = arith.addi %get3A_192, %add3A_218 : vector<16xi32>
        %and3A_220 = arith.constant 1048575 : i32
        %and3A_221 = vector.broadcast %and3A_220 : i32 to vector<16xi32>
        %and3A_222 = arith.andi %add3A_219, %and3A_221 : vector<16xi32>
        %add3A_223 = arith.constant 4096 : i32
        %add3A_224 = arith.addi %add3A_223, %mul3A_189 : i32
        %swap3A_225 = arith.index_cast %add3A_224 : i32 to index
        %swap3A_226 = tpu.vector_load %arg15[%swap3A_225] {strides = array<i32>} : memref<12288xi32, #tpu.memory_space<vmem>>, vector<16xi32>,
        %swap3A_227 = vector.shape_cast %swap3A_226 : vector<16xi32> to vector<16xi32>
        %swap3A_228 = vector.shape_cast %and3A_222 : vector<16xi32> to vector<16xi32>
        tpu.vector_store %arg15[%swap3A_225], %swap3A_228 {strides = array<i32>} : memref<12288xi32, #tpu.memory_space<vmem>>, vector<16xi32>,
        %add3A_229 = arith.constant -19349669 : i32
        %add3A_230 = vector.broadcast %add3A_229 : i32 to vector<16xi32>
        %add3A_231 = arith.addi %get3A_192, %add3A_230 : vector<16xi32>
        %and3A_232 = arith.constant 1048575 : i32
        %and3A_233 = vector.broadcast %and3A_232 : i32 to vector<16xi32>
        %and3A_234 = arith.andi %add3A_231, %and3A_233 : vector<16xi32>
        %add3A_235 = arith.constant 6144 : i32
        %add3A_236 = arith.addi %add3A_235, %mul3A_189 : i32
        %swap3A_237 = arith.index_cast %add3A_236 : i32 to index
        %swap3A_238 = tpu.vector_load %arg15[%swap3A_237] {strides = array<i32>} : memref<12288xi32, #tpu.memory_space<vmem>>, vector<16xi32>,
        %swap3A_239 = vector.shape_cast %swap3A_238 : vector<16xi32> to vector<16xi32>
        %swap3A_240 = vector.shape_cast %and3A_234 : vector<16xi32> to vector<16xi32>
        tpu.vector_store %arg15[%swap3A_237], %swap3A_240 {strides = array<i32>} : memref<12288xi32, #tpu.memory_space<vmem>>, vector<16xi32>,
        %add3A_241 = arith.constant 83492791 : i32
        %add3A_242 = vector.broadcast %add3A_241 : i32 to vector<16xi32>
        %add3A_243 = arith.addi %get3A_192, %add3A_242 : vector<16xi32>
        %and3A_244 = arith.constant 1048575 : i32
        %and3A_245 = vector.broadcast %and3A_244 : i32 to vector<16xi32>
        %and3A_246 = arith.andi %add3A_243, %and3A_245 : vector<16xi32>
        %add3A_247 = arith.constant 8192 : i32
        %add3A_248 = arith.addi %add3A_247, %mul3A_189 : i32
        %swap3A_249 = arith.index_cast %add3A_248 : i32 to index
        %swap3A_250 = tpu.vector_load %arg15[%swap3A_249] {strides = array<i32>} : memref<12288xi32, #tpu.memory_space<vmem>>, vector<16xi32>,
        %swap3A_251 = vector.shape_cast %swap3A_250 : vector<16xi32> to vector<16xi32>
        %swap3A_252 = vector.shape_cast %and3A_246 : vector<16xi32> to vector<16xi32>
        tpu.vector_store %arg15[%swap3A_249], %swap3A_252 {strides = array<i32>} : memref<12288xi32, #tpu.memory_space<vmem>>, vector<16xi32>,
        %add3A_253 = arith.constant -83492791 : i32
        %add3A_254 = vector.broadcast %add3A_253 : i32 to vector<16xi32>
        %add3A_255 = arith.addi %get3A_192, %add3A_254 : vector<16xi32>
        %and3A_256 = arith.constant 1048575 : i32
        %and3A_257 = vector.broadcast %and3A_256 : i32 to vector<16xi32>
        %and3A_258 = arith.andi %add3A_255, %and3A_257 : vector<16xi32>
        %add3A_259 = arith.constant 10240 : i32
        %add3A_260 = arith.addi %add3A_259, %mul3A_189 : i32
        %swap3A_261 = arith.index_cast %add3A_260 : i32 to index
        %swap3A_262 = tpu.vector_load %arg15[%swap3A_261] {strides = array<i32>} : memref<12288xi32, #tpu.memory_space<vmem>>, vector<16xi32>,
        %swap3A_263 = vector.shape_cast %swap3A_262 : vector<16xi32> to vector<16xi32>
        %swap3A_264 = vector.shape_cast %and3A_258 : vector<16xi32> to vector<16xi32>
        tpu.vector_store %arg15[%swap3A_261], %swap3A_264 {strides = array<i32>} : memref<12288xi32, #tpu.memory_space<vmem>>, vector<16xi32>,
        %scan3A_265 = arith.constant 0 : i32
        scf.yield %scan3A_265 : i32
      }
      %scan3A_49 = arith.constant 128 : i32
      "tpu.region"() ({
        %run_scoped3A = tpu.sem_alloc : memref<!tpu.dma_semaphore, #tpu.memory_space<semaphore_mem>>
        %dma_start3A = arith.constant 0 : i32
        %dma_start3A_58 = tpu.memref_slice %arg19[%dma_start3A] : memref<1048576xf32, #tpu.memory_space<vmem_shared>> -> memref<1048576xf32, #tpu.memory_space<vmem_shared>>
        tpu.enqueue_indirect_dma source(%dma_start3A_58 : memref<1048576xf32, #tpu.memory_space<vmem_shared>>) target(%arg16 : memref<12288xf32, #tpu.memory_space<vmem>>) offsets(%arg15 : memref<12288xi32, #tpu.memory_space<vmem>>) semaphore(%run_scoped3A : memref<!tpu.dma_semaphore, #tpu.memory_space<semaphore_mem>>)
        %dma_wait3A = arith.constant 0 : i32
        %dma_wait3A_59 = tpu.memref_slice %arg19[%dma_wait3A] : memref<1048576xf32, #tpu.memory_space<vmem_shared>> -> memref<1048576xf32, #tpu.memory_space<vmem_shared>>
        tpu.wait_indirect_dma semaphore(%run_scoped3A : memref<!tpu.dma_semaphore, #tpu.memory_space<semaphore_mem>>) src(%dma_wait3A_59 : memref<1048576xf32, #tpu.memory_space<vmem_shared>>) dst(%arg16 : memref<12288xf32, #tpu.memory_space<vmem>>)
        tpu.yield
      }) : () -> ()
      %scan3A_50 = arith.constant 0 : i32
      %scan3A_51 = arith.constant 0 : i32
      %scan3A_52 = arith.constant 128 : i32
      %scan3A_53 = arith.addi %scan3A_51, %scan3A_52 : i32
      %scan3A_54 = arith.constant 1 : i32
      %scan3A_55 = scf.for %scan3A_58 = %scan3A_51 to %scan3A_53 step %scan3A_54 iter_args(%scan3A_59 = %scan3A_50) -> (i32)  : i32 {
        %mul3A_60 = arith.constant 16 : i32
        %mul3A_61 = arith.muli %scan3A_58, %mul3A_60 : i32
        %broadcast_in_dim3A = arith.constant 1 : i32
        %broadcast_in_dim3A_62 = vector.broadcast %broadcast_in_dim3A : i32 to vector<16xi32>
        %add3A_63 = arith.constant 0 : i32
        %add3A_64 = arith.addi %add3A_63, %mul3A_61 : i32
        %get3A = arith.index_cast %add3A_64 : i32 to index
        %get3A_65 = tpu.vector_load %arg16[%get3A] {strides = array<i32>} : memref<12288xf32, #tpu.memory_space<vmem>>, vector<16xf32>,
        %get3A_66 = vector.shape_cast %get3A_65 : vector<16xf32> to vector<16xf32>
        %gt3A = arith.constant 0.000000e+00 : f32
        %gt3A_67 = vector.broadcast %gt3A : f32 to vector<16xf32>
        %gt3A_68 = arith.cmpf ogt, %get3A_66, %gt3A_67 : vector<16xf32>
        %jit3A = arith.constant 2 : i32
        %jit3A_69 = arith.constant 0 : i32
        %broadcast_in_dim3A_70 = vector.broadcast %jit3A : i32 to vector<16xi32>
        %broadcast_in_dim3A_71 = vector.broadcast %jit3A_69 : i32 to vector<16xi32>
        %select_n3A = arith.select %gt3A_68, %broadcast_in_dim3A_70, %broadcast_in_dim3A_71 : vector<16xi1>, vector<16xi32>
        %or3A = arith.ori %broadcast_in_dim3A_62, %select_n3A : vector<16xi32>
        %add3A_72 = arith.constant 2048 : i32
        %add3A_73 = arith.addi %add3A_72, %mul3A_61 : i32
        %get3A_74 = arith.index_cast %add3A_73 : i32 to index
        %get3A_75 = tpu.vector_load %arg16[%get3A_74] {strides = array<i32>} : memref<12288xf32, #tpu.memory_space<vmem>>, vector<16xf32>,
        %get3A_76 = vector.shape_cast %get3A_75 : vector<16xf32> to vector<16xf32>
        %gt3A_77 = arith.constant 0.000000e+00 : f32
        %gt3A_78 = vector.broadcast %gt3A_77 : f32 to vector<16xf32>
        %gt3A_79 = arith.cmpf ogt, %get3A_76, %gt3A_78 : vector<16xf32>
        %jit3A_80 = arith.constant 4 : i32
        %jit3A_81 = arith.constant 0 : i32
        %broadcast_in_dim3A_82 = vector.broadcast %jit3A_80 : i32 to vector<16xi32>
        %broadcast_in_dim3A_83 = vector.broadcast %jit3A_81 : i32 to vector<16xi32>
        %select_n3A_84 = arith.select %gt3A_79, %broadcast_in_dim3A_82, %broadcast_in_dim3A_83 : vector<16xi1>, vector<16xi32>
        %or3A_85 = arith.ori %or3A, %select_n3A_84 : vector<16xi32>
        %add3A_86 = arith.constant 4096 : i32
        %add3A_87 = arith.addi %add3A_86, %mul3A_61 : i32
        %get3A_88 = arith.index_cast %add3A_87 : i32 to index
        %get3A_89 = tpu.vector_load %arg16[%get3A_88] {strides = array<i32>} : memref<12288xf32, #tpu.memory_space<vmem>>, vector<16xf32>,
        %get3A_90 = vector.shape_cast %get3A_89 : vector<16xf32> to vector<16xf32>
        %gt3A_91 = arith.constant 0.000000e+00 : f32
        %gt3A_92 = vector.broadcast %gt3A_91 : f32 to vector<16xf32>
        %gt3A_93 = arith.cmpf ogt, %get3A_90, %gt3A_92 : vector<16xf32>
        %jit3A_94 = arith.constant 8 : i32
        %jit3A_95 = arith.constant 0 : i32
        %broadcast_in_dim3A_96 = vector.broadcast %jit3A_94 : i32 to vector<16xi32>
        %broadcast_in_dim3A_97 = vector.broadcast %jit3A_95 : i32 to vector<16xi32>
        %select_n3A_98 = arith.select %gt3A_93, %broadcast_in_dim3A_96, %broadcast_in_dim3A_97 : vector<16xi1>, vector<16xi32>
        %or3A_99 = arith.ori %or3A_85, %select_n3A_98 : vector<16xi32>
        %add3A_100 = arith.constant 6144 : i32
        %add3A_101 = arith.addi %add3A_100, %mul3A_61 : i32
        %get3A_102 = arith.index_cast %add3A_101 : i32 to index
        %get3A_103 = tpu.vector_load %arg16[%get3A_102] {strides = array<i32>} : memref<12288xf32, #tpu.memory_space<vmem>>, vector<16xf32>,
        %get3A_104 = vector.shape_cast %get3A_103 : vector<16xf32> to vector<16xf32>
        %gt3A_105 = arith.constant 0.000000e+00 : f32
        %gt3A_106 = vector.broadcast %gt3A_105 : f32 to vector<16xf32>
        %gt3A_107 = arith.cmpf ogt, %get3A_104, %gt3A_106 : vector<16xf32>
        %jit3A_108 = arith.constant 16 : i32
        %jit3A_109 = arith.constant 0 : i32
        %broadcast_in_dim3A_110 = vector.broadcast %jit3A_108 : i32 to vector<16xi32>
        %broadcast_in_dim3A_111 = vector.broadcast %jit3A_109 : i32 to vector<16xi32>
        %select_n3A_112 = arith.select %gt3A_107, %broadcast_in_dim3A_110, %broadcast_in_dim3A_111 : vector<16xi1>, vector<16xi32>
        %or3A_113 = arith.ori %or3A_99, %select_n3A_112 : vector<16xi32>
        %add3A_114 = arith.constant 8192 : i32
        %add3A_115 = arith.addi %add3A_114, %mul3A_61 : i32
        %get3A_116 = arith.index_cast %add3A_115 : i32 to index
        %get3A_117 = tpu.vector_load %arg16[%get3A_116] {strides = array<i32>} : memref<12288xf32, #tpu.memory_space<vmem>>, vector<16xf32>,
        %get3A_118 = vector.shape_cast %get3A_117 : vector<16xf32> to vector<16xf32>
        %gt3A_119 = arith.constant 0.000000e+00 : f32
        %gt3A_120 = vector.broadcast %gt3A_119 : f32 to vector<16xf32>
        %gt3A_121 = arith.cmpf ogt, %get3A_118, %gt3A_120 : vector<16xf32>
        %jit3A_122 = arith.constant 32 : i32
        %jit3A_123 = arith.constant 0 : i32
        %broadcast_in_dim3A_124 = vector.broadcast %jit3A_122 : i32 to vector<16xi32>
        %broadcast_in_dim3A_125 = vector.broadcast %jit3A_123 : i32 to vector<16xi32>
        %select_n3A_126 = arith.select %gt3A_121, %broadcast_in_dim3A_124, %broadcast_in_dim3A_125 : vector<16xi1>, vector<16xi32>
        %or3A_127 = arith.ori %or3A_113, %select_n3A_126 : vector<16xi32>
        %add3A_128 = arith.constant 10240 : i32
        %add3A_129 = arith.addi %add3A_128, %mul3A_61 : i32
        %get3A_130 = arith.index_cast %add3A_129 : i32 to index
        %get3A_131 = tpu.vector_load %arg16[%get3A_130] {strides = array<i32>} : memref<12288xf32, #tpu.memory_space<vmem>>, vector<16xf32>,
        %get3A_132 = vector.shape_cast %get3A_131 : vector<16xf32> to vector<16xf32>
        %gt3A_133 = arith.constant 0.000000e+00 : f32
        %gt3A_134 = vector.broadcast %gt3A_133 : f32 to vector<16xf32>
        %gt3A_135 = arith.cmpf ogt, %get3A_132, %gt3A_134 : vector<16xf32>
        %jit3A_136 = arith.constant 64 : i32
        %jit3A_137 = arith.constant 0 : i32
        %broadcast_in_dim3A_138 = vector.broadcast %jit3A_136 : i32 to vector<16xi32>
        %broadcast_in_dim3A_139 = vector.broadcast %jit3A_137 : i32 to vector<16xi32>
        %select_n3A_140 = arith.select %gt3A_135, %broadcast_in_dim3A_138, %broadcast_in_dim3A_139 : vector<16xi1>, vector<16xi32>
        %or3A_141 = arith.ori %or3A_127, %select_n3A_140 : vector<16xi32>
        %swap3A = arith.index_cast %mul3A_61 : i32 to index
        %swap3A_142 = tpu.vector_load %arg17[%swap3A] {strides = array<i32>} : memref<2048xi32, #tpu.memory_space<vmem>>, vector<16xi32>,
        %swap3A_143 = vector.shape_cast %swap3A_142 : vector<16xi32> to vector<16xi32>
        %swap3A_144 = vector.shape_cast %or3A_141 : vector<16xi32> to vector<16xi32>
        tpu.vector_store %arg17[%swap3A], %swap3A_144 {strides = array<i32>} : memref<2048xi32, #tpu.memory_space<vmem>>, vector<16xi32>,
        %scan3A_145 = arith.constant 0 : i32
        scf.yield %scan3A_145 : i32
      }
      %scan3A_56 = arith.constant 128 : i32
      "tpu.region"() ({
        %run_scoped3A = tpu.sem_alloc : memref<!tpu.dma_semaphore, #tpu.memory_space<semaphore_mem>>
        %dma_start3A = tpu.memref_slice %arg6[%add3A_42] : memref<1003520xi32, #tpu.memory_space<hbm>> -> memref<2048xi32, #tpu.memory_space<hbm>>
        %dma_start3A_58 = tpu.memref_slice %arg6[%add3A_42] : memref<1003520xi32, #tpu.memory_space<hbm>> -> memref<2048xi32, #tpu.memory_space<hbm>>
        tpu.enqueue_dma source(%arg17 : memref<2048xi32, #tpu.memory_space<vmem>>) target(%dma_start3A_58 : memref<2048xi32, #tpu.memory_space<hbm>>) target_semaphore(%run_scoped3A : memref<!tpu.dma_semaphore, #tpu.memory_space<semaphore_mem>>)
        %dma_wait3A = tpu.memref_slice %arg6[%add3A_42] : memref<1003520xi32, #tpu.memory_space<hbm>> -> memref<2048xi32, #tpu.memory_space<hbm>>
        %dma_wait3A_59 = tpu.memref_slice %arg6[%add3A_42] : memref<1003520xi32, #tpu.memory_space<hbm>> -> memref<2048xi32, #tpu.memory_space<hbm>>
        tpu.wait_dma2 semaphore(%run_scoped3A : memref<!tpu.dma_semaphore, #tpu.memory_space<semaphore_mem>>) src(%arg17 : memref<2048xi32, #tpu.memory_space<vmem>>) dst(%dma_wait3A_59 : memref<2048xi32, #tpu.memory_space<hbm>>)
        tpu.yield
      }) : () -> ()
      "tpu.region"() ({
        %run_scoped3A = tpu.sem_alloc : memref<!tpu.dma_semaphore, #tpu.memory_space<semaphore_mem>>
        %dma_start3A = arith.constant 0 : i32
        %dma_start3A_58 = tpu.memref_slice %arg18[%dma_start3A] : memref<8192xf32, #tpu.memory_space<vmem>> -> memref<2048xf32, #tpu.memory_space<vmem>>
        %dma_start3A_59 = tpu.memref_slice %arg7[%add3A_42] : memref<1000000xf32, #tpu.memory_space<hbm>> -> memref<2048xf32, #tpu.memory_space<hbm>>
        %dma_start3A_60 = tpu.memref_slice %arg7[%add3A_42] : memref<1000000xf32, #tpu.memory_space<hbm>> -> memref<2048xf32, #tpu.memory_space<hbm>>
        %dma_start3A_61 = arith.constant 0 : i32
        %dma_start3A_62 = tpu.memref_slice %arg18[%dma_start3A_61] : memref<8192xf32, #tpu.memory_space<vmem>> -> memref<2048xf32, #tpu.memory_space<vmem>>
        tpu.enqueue_dma source(%dma_start3A_62 : memref<2048xf32, #tpu.memory_space<vmem>>) target(%dma_start3A_60 : memref<2048xf32, #tpu.memory_space<hbm>>) target_semaphore(%run_scoped3A : memref<!tpu.dma_semaphore, #tpu.memory_space<semaphore_mem>>)
        %dma_wait3A = arith.constant 0 : i32
        %dma_wait3A_63 = tpu.memref_slice %arg18[%dma_wait3A] : memref<8192xf32, #tpu.memory_space<vmem>> -> memref<2048xf32, #tpu.memory_space<vmem>>
        %dma_wait3A_64 = tpu.memref_slice %arg7[%add3A_42] : memref<1000000xf32, #tpu.memory_space<hbm>> -> memref<2048xf32, #tpu.memory_space<hbm>>
        %dma_wait3A_65 = tpu.memref_slice %arg7[%add3A_42] : memref<1000000xf32, #tpu.memory_space<hbm>> -> memref<2048xf32, #tpu.memory_space<hbm>>
        %dma_wait3A_66 = arith.constant 0 : i32
        %dma_wait3A_67 = tpu.memref_slice %arg18[%dma_wait3A_66] : memref<8192xf32, #tpu.memory_space<vmem>> -> memref<2048xf32, #tpu.memory_space<vmem>>
        tpu.wait_dma2 semaphore(%run_scoped3A : memref<!tpu.dma_semaphore, #tpu.memory_space<semaphore_mem>>) src(%dma_wait3A_67 : memref<2048xf32, #tpu.memory_space<vmem>>) dst(%dma_wait3A_65 : memref<2048xf32, #tpu.memory_space<hbm>>)
        tpu.yield
      }) : () -> ()
      "tpu.region"() ({
        %run_scoped3A = tpu.sem_alloc : memref<!tpu.dma_semaphore, #tpu.memory_space<semaphore_mem>>
        %dma_start3A = arith.constant 2048 : i32
        %dma_start3A_58 = tpu.memref_slice %arg18[%dma_start3A] : memref<8192xf32, #tpu.memory_space<vmem>> -> memref<2048xf32, #tpu.memory_space<vmem>>
        %dma_start3A_59 = tpu.memref_slice %arg8[%add3A_42] : memref<1000000xf32, #tpu.memory_space<hbm>> -> memref<2048xf32, #tpu.memory_space<hbm>>
        %dma_start3A_60 = tpu.memref_slice %arg8[%add3A_42] : memref<1000000xf32, #tpu.memory_space<hbm>> -> memref<2048xf32, #tpu.memory_space<hbm>>
        %dma_start3A_61 = arith.constant 2048 : i32
        %dma_start3A_62 = tpu.memref_slice %arg18[%dma_start3A_61] : memref<8192xf32, #tpu.memory_space<vmem>> -> memref<2048xf32, #tpu.memory_space<vmem>>
        tpu.enqueue_dma source(%dma_start3A_62 : memref<2048xf32, #tpu.memory_space<vmem>>) target(%dma_start3A_60 : memref<2048xf32, #tpu.memory_space<hbm>>) target_semaphore(%run_scoped3A : memref<!tpu.dma_semaphore, #tpu.memory_space<semaphore_mem>>)
        %dma_wait3A = arith.constant 2048 : i32
        %dma_wait3A_63 = tpu.memref_slice %arg18[%dma_wait3A] : memref<8192xf32, #tpu.memory_space<vmem>> -> memref<2048xf32, #tpu.memory_space<vmem>>
        %dma_wait3A_64 = tpu.memref_slice %arg8[%add3A_42] : memref<1000000xf32, #tpu.memory_space<hbm>> -> memref<2048xf32, #tpu.memory_space<hbm>>
        %dma_wait3A_65 = tpu.memref_slice %arg8[%add3A_42] : memref<1000000xf32, #tpu.memory_space<hbm>> -> memref<2048xf32, #tpu.memory_space<hbm>>
        %dma_wait3A_66 = arith.constant 2048 : i32
        %dma_wait3A_67 = tpu.memref_slice %arg18[%dma_wait3A_66] : memref<8192xf32, #tpu.memory_space<vmem>> -> memref<2048xf32, #tpu.memory_space<vmem>>
        tpu.wait_dma2 semaphore(%run_scoped3A : memref<!tpu.dma_semaphore, #tpu.memory_space<semaphore_mem>>) src(%dma_wait3A_67 : memref<2048xf32, #tpu.memory_space<vmem>>) dst(%dma_wait3A_65 : memref<2048xf32, #tpu.memory_space<hbm>>)
        tpu.yield
      }) : () -> ()
      "tpu.region"() ({
        %run_scoped3A = tpu.sem_alloc : memref<!tpu.dma_semaphore, #tpu.memory_space<semaphore_mem>>
        %dma_start3A = arith.constant 4096 : i32
        %dma_start3A_58 = tpu.memref_slice %arg18[%dma_start3A] : memref<8192xf32, #tpu.memory_space<vmem>> -> memref<2048xf32, #tpu.memory_space<vmem>>
        %dma_start3A_59 = tpu.memref_slice %arg9[%add3A_42] : memref<1000000xf32, #tpu.memory_space<hbm>> -> memref<2048xf32, #tpu.memory_space<hbm>>
        %dma_start3A_60 = tpu.memref_slice %arg9[%add3A_42] : memref<1000000xf32, #tpu.memory_space<hbm>> -> memref<2048xf32, #tpu.memory_space<hbm>>
        %dma_start3A_61 = arith.constant 4096 : i32
        %dma_start3A_62 = tpu.memref_slice %arg18[%dma_start3A_61] : memref<8192xf32, #tpu.memory_space<vmem>> -> memref<2048xf32, #tpu.memory_space<vmem>>
        tpu.enqueue_dma source(%dma_start3A_62 : memref<2048xf32, #tpu.memory_space<vmem>>) target(%dma_start3A_60 : memref<2048xf32, #tpu.memory_space<hbm>>) target_semaphore(%run_scoped3A : memref<!tpu.dma_semaphore, #tpu.memory_space<semaphore_mem>>)
        %dma_wait3A = arith.constant 4096 : i32
        %dma_wait3A_63 = tpu.memref_slice %arg18[%dma_wait3A] : memref<8192xf32, #tpu.memory_space<vmem>> -> memref<2048xf32, #tpu.memory_space<vmem>>
        %dma_wait3A_64 = tpu.memref_slice %arg9[%add3A_42] : memref<1000000xf32, #tpu.memory_space<hbm>> -> memref<2048xf32, #tpu.memory_space<hbm>>
        %dma_wait3A_65 = tpu.memref_slice %arg9[%add3A_42] : memref<1000000xf32, #tpu.memory_space<hbm>> -> memref<2048xf32, #tpu.memory_space<hbm>>
        %dma_wait3A_66 = arith.constant 4096 : i32
        %dma_wait3A_67 = tpu.memref_slice %arg18[%dma_wait3A_66] : memref<8192xf32, #tpu.memory_space<vmem>> -> memref<2048xf32, #tpu.memory_space<vmem>>
        tpu.wait_dma2 semaphore(%run_scoped3A : memref<!tpu.dma_semaphore, #tpu.memory_space<semaphore_mem>>) src(%dma_wait3A_67 : memref<2048xf32, #tpu.memory_space<vmem>>) dst(%dma_wait3A_65 : memref<2048xf32, #tpu.memory_space<hbm>>)
        tpu.yield
      }) : () -> ()
      "tpu.region"() ({
        %run_scoped3A = tpu.sem_alloc : memref<!tpu.dma_semaphore, #tpu.memory_space<semaphore_mem>>
        %dma_start3A = arith.constant 6144 : i32
        %dma_start3A_58 = tpu.memref_slice %arg18[%dma_start3A] : memref<8192xf32, #tpu.memory_space<vmem>> -> memref<2048xf32, #tpu.memory_space<vmem>>
        %dma_start3A_59 = tpu.memref_slice %arg10[%add3A_42] : memref<1000000xf32, #tpu.memory_space<hbm>> -> memref<2048xf32, #tpu.memory_space<hbm>>
        %dma_start3A_60 = tpu.memref_slice %arg10[%add3A_42] : memref<1000000xf32, #tpu.memory_space<hbm>> -> memref<2048xf32, #tpu.memory_space<hbm>>
        %dma_start3A_61 = arith.constant 6144 : i32
        %dma_start3A_62 = tpu.memref_slice %arg18[%dma_start3A_61] : memref<8192xf32, #tpu.memory_space<vmem>> -> memref<2048xf32, #tpu.memory_space<vmem>>
        tpu.enqueue_dma source(%dma_start3A_62 : memref<2048xf32, #tpu.memory_space<vmem>>) target(%dma_start3A_60 : memref<2048xf32, #tpu.memory_space<hbm>>) target_semaphore(%run_scoped3A : memref<!tpu.dma_semaphore, #tpu.memory_space<semaphore_mem>>)
        %dma_wait3A = arith.constant 6144 : i32
        %dma_wait3A_63 = tpu.memref_slice %arg18[%dma_wait3A] : memref<8192xf32, #tpu.memory_space<vmem>> -> memref<2048xf32, #tpu.memory_space<vmem>>
        %dma_wait3A_64 = tpu.memref_slice %arg10[%add3A_42] : memref<1000000xf32, #tpu.memory_space<hbm>> -> memref<2048xf32, #tpu.memory_space<hbm>>
        %dma_wait3A_65 = tpu.memref_slice %arg10[%add3A_42] : memref<1000000xf32, #tpu.memory_space<hbm>> -> memref<2048xf32, #tpu.memory_space<hbm>>
        %dma_wait3A_66 = arith.constant 6144 : i32
        %dma_wait3A_67 = tpu.memref_slice %arg18[%dma_wait3A_66] : memref<8192xf32, #tpu.memory_space<vmem>> -> memref<2048xf32, #tpu.memory_space<vmem>>
        tpu.wait_dma2 semaphore(%run_scoped3A : memref<!tpu.dma_semaphore, #tpu.memory_space<semaphore_mem>>) src(%dma_wait3A_67 : memref<2048xf32, #tpu.memory_space<vmem>>) dst(%dma_wait3A_65 : memref<2048xf32, #tpu.memory_space<hbm>>)
        tpu.yield
      }) : () -> ()
      %scan3A_57 = arith.constant 0 : i32
      scf.yield %scan3A_57 : i32
    }
    %scan3A_35 = arith.constant 16 : i32
    return
  }
}

module attributes {stable_mosaic.version = 14 : i64} {
  func.func @_feats_body(%arg0: i32, %arg1: memref<1x1x4096xi32, #tpu.memory_space<vmem>>, %arg2: memref<7x32xf32, #tpu.memory_space<vmem>>, %arg3: memref<1x32xf32, #tpu.memory_space<vmem>>, %arg4: memref<32x128xf32, #tpu.memory_space<vmem>>, %arg5: memref<1x128xf32, #tpu.memory_space<vmem>>, %arg6: memref<128x32xf32, #tpu.memory_space<vmem>>, %arg7: memref<1x32xf32, #tpu.memory_space<vmem>>, %arg8: memref<32x16xf32, #tpu.memory_space<vmem>>, %arg9: memref<1x16xf32, #tpu.memory_space<vmem>>, %arg10: memref<16x4096xf32, #tpu.memory_space<vmem>>, %arg11: memref<128x16xf32, #tpu.memory_space<vmem>>) attributes {dimension_semantics = [#tpu.dimension_semantics<arbitrary>], iteration_bounds = array<i64: 245>, scalar_prefetch = 0 : i64, scratch_operands = 1 : i64, tpu.core_type = #tpu.core_type<tc>, window_params = [{transform_indices = @transform_0, window_bounds = array<i64: 1, 1, 4096>}, {pipeline_mode = #tpu.pipeline_mode<synchronous>, transform_indices = @transform_1, window_bounds = array<i64: 7, 32>}, {pipeline_mode = #tpu.pipeline_mode<synchronous>, transform_indices = @transform_2, window_bounds = array<i64: 1, 32>}, {pipeline_mode = #tpu.pipeline_mode<synchronous>, transform_indices = @transform_3, window_bounds = array<i64: 32, 128>}, {pipeline_mode = #tpu.pipeline_mode<synchronous>, transform_indices = @transform_4, window_bounds = array<i64: 1, 128>}, {pipeline_mode = #tpu.pipeline_mode<synchronous>, transform_indices = @transform_5, window_bounds = array<i64: 128, 32>}, {pipeline_mode = #tpu.pipeline_mode<synchronous>, transform_indices = @transform_6, window_bounds = array<i64: 1, 32>}, {pipeline_mode = #tpu.pipeline_mode<synchronous>, transform_indices = @transform_7, window_bounds = array<i64: 32, 16>}, {pipeline_mode = #tpu.pipeline_mode<synchronous>, transform_indices = @transform_8, window_bounds = array<i64: 1, 16>}, {transform_indices = @transform_9, window_bounds = array<i64: 16, 4096>}]} {
    %eq3A = arith.constant 0 : i32
    %eq3A_0 = arith.cmpi eq, %arg0, %eq3A : i32
    %convert_element_type3A = arith.extui %eq3A_0 : i1 to i32
    %cond3A = arith.constant 0 : i32
    %cond3A_1 = arith.cmpi ne, %convert_element_type3A, %cond3A : i32
    scf.if %cond3A_1 {
      %iota3A_16 = tpu.iota {dimensions = array<i32: 0>} : vector<128x7xi32>
      %iota3A_17 = tpu.iota {dimensions = array<i32: 1>} : vector<128x7xi32>
      %shift_right_arithmetic3A = arith.shrsi %iota3A_16, %iota3A_17 : vector<128x7xi32>
      %and3A = arith.constant 1 : i32
      %and3A_18 = vector.broadcast %and3A : i32 to vector<128x7xi32>
      %and3A_19 = arith.andi %shift_right_arithmetic3A, %and3A_18 : vector<128x7xi32>
      %convert_element_type3A_20 = arith.sitofp %and3A_19 : vector<128x7xi32> to vector<128x7xf32>
      %mul3A = arith.constant 5.000000e-01 : f32
      %mul3A_21 = vector.broadcast %mul3A : f32 to vector<128x7xf32>
      %mul3A_22 = arith.mulf %convert_element_type3A_20, %mul3A_21 : vector<128x7xf32>
      %get3A_23 = arith.constant 0 : index
      %get3A_24 = arith.constant 0 : index
      %get3A_25 = vector.load %arg2[%get3A_23, %get3A_24] : memref<7x32xf32, #tpu.memory_space<vmem>>, vector<7x32xf32>
      %dot_general3A_26 = arith.constant dense<0.000000e+00> : vector<128x32xf32>
      %dot_general3A_27 = tpu.matmul %mul3A_22, %get3A_25, %dot_general3A_26 {dimension_numbers = #tpu.dot_dimension_numbers<[1], [0], [0], [1], [0, 0, 1, 1], [], []>, transpose_lhs_hint = false} : vector<128x7xf32>, vector<7x32xf32>, vector<128x32xf32> -> vector<128x32xf32>
      %get3A_28 = arith.constant 0 : index
      %get3A_29 = arith.constant 0 : index
      %get3A_30 = vector.load %arg3[%get3A_28, %get3A_29] : memref<1x32xf32, #tpu.memory_space<vmem>>, vector<1x32xf32>
      %add3A = vector.broadcast %get3A_30 : vector<1x32xf32> to vector<128x32xf32>
      %add3A_31 = arith.addf %dot_general3A_27, %add3A : vector<128x32xf32>
      %max3A = arith.constant 0.000000e+00 : f32
      %max3A_32 = vector.broadcast %max3A : f32 to vector<128x32xf32>
      %max3A_33 = arith.maximumf %add3A_31, %max3A_32 : vector<128x32xf32>
      %get3A_34 = arith.constant 0 : index
      %get3A_35 = arith.constant 0 : index
      %get3A_36 = vector.load %arg4[%get3A_34, %get3A_35] : memref<32x128xf32, #tpu.memory_space<vmem>>, vector<32x128xf32>
      %dot_general3A_37 = arith.constant dense<0.000000e+00> : vector<128x128xf32>
      %dot_general3A_38 = tpu.matmul %max3A_33, %get3A_36, %dot_general3A_37 {dimension_numbers = #tpu.dot_dimension_numbers<[1], [0], [0], [1], [0, 0, 1, 1], [], []>, transpose_lhs_hint = false} : vector<128x32xf32>, vector<32x128xf32>, vector<128x128xf32> -> vector<128x128xf32>
      %get3A_39 = arith.constant 0 : index
      %get3A_40 = arith.constant 0 : index
      %get3A_41 = vector.load %arg5[%get3A_39, %get3A_40] : memref<1x128xf32, #tpu.memory_space<vmem>>, vector<1x128xf32>
      %add3A_42 = vector.broadcast %get3A_41 : vector<1x128xf32> to vector<128x128xf32>
      %add3A_43 = arith.addf %dot_general3A_38, %add3A_42 : vector<128x128xf32>
      %max3A_44 = arith.constant 0.000000e+00 : f32
      %max3A_45 = vector.broadcast %max3A_44 : f32 to vector<128x128xf32>
      %max3A_46 = arith.maximumf %add3A_43, %max3A_45 : vector<128x128xf32>
      %get3A_47 = arith.constant 0 : index
      %get3A_48 = arith.constant 0 : index
      %get3A_49 = vector.load %arg6[%get3A_47, %get3A_48] : memref<128x32xf32, #tpu.memory_space<vmem>>, vector<128x32xf32>
      %dot_general3A_50 = arith.constant dense<0.000000e+00> : vector<128x32xf32>
      %dot_general3A_51 = tpu.matmul %max3A_46, %get3A_49, %dot_general3A_50 {dimension_numbers = #tpu.dot_dimension_numbers<[1], [0], [0], [1], [0, 0, 1, 1], [], []>, transpose_lhs_hint = false} : vector<128x128xf32>, vector<128x32xf32>, vector<128x32xf32> -> vector<128x32xf32>
      %get3A_52 = arith.constant 0 : index
      %get3A_53 = arith.constant 0 : index
      %get3A_54 = vector.load %arg7[%get3A_52, %get3A_53] : memref<1x32xf32, #tpu.memory_space<vmem>>, vector<1x32xf32>
      %add3A_55 = vector.broadcast %get3A_54 : vector<1x32xf32> to vector<128x32xf32>
      %add3A_56 = arith.addf %dot_general3A_51, %add3A_55 : vector<128x32xf32>
      %max3A_57 = arith.constant 0.000000e+00 : f32
      %max3A_58 = vector.broadcast %max3A_57 : f32 to vector<128x32xf32>
      %max3A_59 = arith.maximumf %add3A_56, %max3A_58 : vector<128x32xf32>
      %get3A_60 = arith.constant 0 : index
      %get3A_61 = arith.constant 0 : index
      %get3A_62 = vector.load %arg8[%get3A_60, %get3A_61] : memref<32x16xf32, #tpu.memory_space<vmem>>, vector<32x16xf32>
      %dot_general3A_63 = arith.constant dense<0.000000e+00> : vector<128x16xf32>
      %dot_general3A_64 = tpu.matmul %max3A_59, %get3A_62, %dot_general3A_63 {dimension_numbers = #tpu.dot_dimension_numbers<[1], [0], [0], [1], [0, 0, 1, 1], [], []>, transpose_lhs_hint = false} : vector<128x32xf32>, vector<32x16xf32>, vector<128x16xf32> -> vector<128x16xf32>
      %get3A_65 = arith.constant 0 : index
      %get3A_66 = arith.constant 0 : index
      %get3A_67 = vector.load %arg9[%get3A_65, %get3A_66] : memref<1x16xf32, #tpu.memory_space<vmem>>, vector<1x16xf32>
      %add3A_68 = vector.broadcast %get3A_67 : vector<1x16xf32> to vector<128x16xf32>
      %add3A_69 = arith.addf %dot_general3A_64, %add3A_68 : vector<128x16xf32>
      %swap3A_70 = arith.constant 0 : index
      %swap3A_71 = arith.constant 0 : index
      %swap3A_72 = vector.load %arg11[%swap3A_70, %swap3A_71] : memref<128x16xf32, #tpu.memory_space<vmem>>, vector<128x16xf32>
      tpu.vector_store %arg11[%swap3A_70, %swap3A_71], %add3A_69 {strides = array<i32>} : memref<128x16xf32, #tpu.memory_space<vmem>>, vector<128x16xf32>,
    } else {
    }
    %get3A = arith.constant 0 : index
    %get3A_2 = arith.constant 0 : index
    %get3A_3 = arith.constant 0 : index
    %get3A_4 = vector.load %arg1[%get3A, %get3A_2, %get3A_3] : memref<1x1x4096xi32, #tpu.memory_space<vmem>>, vector<1x1x4096xi32>
    %get3A_5 = vector.shape_cast %get3A_4 : vector<1x1x4096xi32> to vector<4096xi32>
    %reshape3A = vector.shape_cast %get3A_5 : vector<4096xi32> to vector<1x4096xi32>
    %iota3A = tpu.iota {dimensions = array<i32: 0>} : vector<128x4096xi32>
    %eq3A_6 = vector.broadcast %reshape3A : vector<1x4096xi32> to vector<128x4096xi32>
    %eq3A_7 = arith.cmpi eq, %eq3A_6, %iota3A : vector<128x4096xi32>
    %convert_element_type3A_8 = arith.extui %eq3A_7 : vector<128x4096xi1> to vector<128x4096xi32>
    %convert_element_type3A_9 = arith.sitofp %convert_element_type3A_8 : vector<128x4096xi32> to vector<128x4096xf32>
    %get3A_10 = arith.constant 0 : index
    %get3A_11 = arith.constant 0 : index
    %get3A_12 = vector.load %arg11[%get3A_10, %get3A_11] : memref<128x16xf32, #tpu.memory_space<vmem>>, vector<128x16xf32>
    %transpose3A = tpu.transpose %get3A_12, [1, 0] : vector<128x16xf32> -> vector<16x128xf32>
    %dot_general3A = arith.constant dense<0.000000e+00> : vector<16x4096xf32>
    %dot_general3A_13 = tpu.matmul %transpose3A, %convert_element_type3A_9, %dot_general3A {dimension_numbers = #tpu.dot_dimension_numbers<[1], [0], [0], [1], [0, 0, 1, 1], [], []>, transpose_lhs_hint = false} : vector<16x128xf32>, vector<128x4096xf32>, vector<16x4096xf32> -> vector<16x4096xf32>
    %swap3A = arith.constant 0 : index
    %swap3A_14 = arith.constant 0 : index
    %swap3A_15 = vector.load %arg10[%swap3A, %swap3A_14] : memref<16x4096xf32, #tpu.memory_space<vmem>>, vector<16x4096xf32>
    tpu.vector_store %arg10[%swap3A, %swap3A_14], %dot_general3A_13 {strides = array<i32>} : memref<16x4096xf32, #tpu.memory_space<vmem>>, vector<16x4096xf32>,
    return
  }
  func.func @transform_0(%arg0: i32) -> (i32, i32, i32) {
    %c0_i32 = arith.constant 0 : i32
    %c0_i32_0 = arith.constant 0 : i32
    %c0_i32_1 = arith.constant 0 : i32
    return %arg0, %c0_i32, %c0_i32_0 : i32, i32, i32
  }
  func.func @transform_1(%arg0: i32) -> (i32, i32) {
    %c0_i32 = arith.constant 0 : i32
    %c0_i32_0 = arith.constant 0 : i32
    %c0_i32_1 = arith.constant 0 : i32
    return %c0_i32, %c0_i32_0 : i32, i32
  }
  func.func @transform_2(%arg0: i32) -> (i32, i32) {
    %c0_i32 = arith.constant 0 : i32
    %c0_i32_0 = arith.constant 0 : i32
    %c0_i32_1 = arith.constant 0 : i32
    return %c0_i32, %c0_i32_0 : i32, i32
  }
  func.func @transform_3(%arg0: i32) -> (i32, i32) {
    %c0_i32 = arith.constant 0 : i32
    %c0_i32_0 = arith.constant 0 : i32
    %c0_i32_1 = arith.constant 0 : i32
    return %c0_i32, %c0_i32_0 : i32, i32
  }
  func.func @transform_4(%arg0: i32) -> (i32, i32) {
    %c0_i32 = arith.constant 0 : i32
    %c0_i32_0 = arith.constant 0 : i32
    %c0_i32_1 = arith.constant 0 : i32
    return %c0_i32, %c0_i32_0 : i32, i32
  }
  func.func @transform_5(%arg0: i32) -> (i32, i32) {
    %c0_i32 = arith.constant 0 : i32
    %c0_i32_0 = arith.constant 0 : i32
    %c0_i32_1 = arith.constant 0 : i32
    return %c0_i32, %c0_i32_0 : i32, i32
  }
  func.func @transform_6(%arg0: i32) -> (i32, i32) {
    %c0_i32 = arith.constant 0 : i32
    %c0_i32_0 = arith.constant 0 : i32
    %c0_i32_1 = arith.constant 0 : i32
    return %c0_i32, %c0_i32_0 : i32, i32
  }
  func.func @transform_7(%arg0: i32) -> (i32, i32) {
    %c0_i32 = arith.constant 0 : i32
    %c0_i32_0 = arith.constant 0 : i32
    %c0_i32_1 = arith.constant 0 : i32
    return %c0_i32, %c0_i32_0 : i32, i32
  }
  func.func @transform_8(%arg0: i32) -> (i32, i32) {
    %c0_i32 = arith.constant 0 : i32
    %c0_i32_0 = arith.constant 0 : i32
    %c0_i32_1 = arith.constant 0 : i32
    return %c0_i32, %c0_i32_0 : i32, i32
  }
  func.func @transform_9(%arg0: i32) -> (i32, i32) {
    %c0_i32 = arith.constant 0 : i32
    %c0_i32_0 = arith.constant 0 : i32
    return %c0_i32, %arg0 : i32, i32
  }
}

</mosaic_0001>

<sc_bundles>
// kernel: kernel.4.cloned.1.call-start
scs
__scs_entry_jumppad:
0x0: {  	(pc) =	sbr.rel $0x88, $3  }
0x1: {  	(tag) =	ssettag $0x0;
	lr =	simm.s32 $0x1  }
0x2: {  	[smem:$0x3F98] =	sst lr;
	_ =	strace $0xD0000000  }
0x3: {  	_ = 	snop  }
0x4: {  	_ = 	snop  }
0x5: {  	_ = 	snop  }
0x6: {  	_ = 	snop  }
0x7: {  	_ = 	snop  }
__scs_overlays_trampoline_lowered:
0x8: {  	[smem:$0x3FA7] =	sst s0  }
0x9: {  	[smem:$0x3FA8] =	sst s1  }
0xa: {  	[smem:$0x3FA9] =	sst s2  }
0xb: {  	[smem:$0x3FAA] =	sst s3  }
0xc: {  	[smem:$0x3FAB] =	sst s4  }
0xd: {  	[smem:$0x3FAC] =	sst s5  }
0xe: {  	[smem:$0x3FAD] =	sst s6  }
0xf: {  	[smem:$0x3FAE] =	sst s7  }
0x10: {  	[smem:$0x3FAF] =	sst s8  }
0x11: {  	[smem:$0x3FB0] =	sst s9;
	s0 =	simm.s32 @!p0 $0x0  }
0x12: {  	s1 =	sld [smem:$0x3F96];
	s0 =	simm.s32 @p0 $0x1  }
0x13: {  	[smem:$0x3FB1] =	sst s0;
	s0 =	simm.s32 @!p1 $0x0  }
0x14: {  	s2 =	sld [smem:$0x3F95];
	s0 =	simm.s32 @p1 $0x1  }
0x15: {  	[smem:$0x3FB2] =	sst s0;
	s0 =	simm.s32 @!p2 $0x0  }
0x16: {  	s3 =	sld [smem:$0x3FDB];
	s0 =	simm.s32 @p2 $0x1  }
0x17: {  	s4 =	simm.s32 $0x1BF5;
	[smem:$0x3FB4] =	sst s0  }
0x18: {  	s0 =	sld [smem:$0x3F97];
	_ =	swait.ge [sflag:s4], $0x0  }
0x19: {  	s7 =	sld [smem:$0x3F98]  }
0x1a: {  	s8 =	sadd.s32 $0xFFFFE003, lr  }
0x1b: {  	s9 =	sadd.s32 $0xFFFFFEF7, lr;
	s5 =	simm.s32 $0xFFFFFFFF;
	p2 =	slt.u32 s8, $0xFFFFF086  }
0x1c: {  	p1 =	slt.u32 s9, $0xF7A;
	s5 =	simm.s32 @!p2 $0x0  }
0x1d: {  	s5 =	simm.s32 @p1 $0x1;
	p0 =	seq.s32 s7, s2  }
0x1e: {  	s7 =	smul.u32 @!p0 $0xF7A, s2;
	p2 =	seq.s32 @!p0 s5, $0x0  }
0x1f: {  	s9 =	smul.u32 $0xF7A, s1;
	s8 =	simm.s32 @!p0 $0x1BF5;
	p2 =	por !p2, p0  }
0x20: {  	[sflag:s8] =	ssyncset.s32 @!p0 $0xFFFFF086;
	s6 =	sadd.s32 @!p0 s3, s7;
	s7 =	simm.s32 @!p0 $0x108  }
0x21: {  	s3 =	sadd.s32 s3, s9;
	s6 =	sadd.s32 @!p0 $0x88, s6;
	s7 =	simm.s32 @p2 $0x1082  }
0x22: {  	[simem:s7], [sflag:s8] =	dma.local @!p0 [hbm:s6], $0xF7A  }
0x23: {  	s9 =	sor.u32 $0xD0000000, s2;
	s6 =	simm.s32 $0x108;
	_ =	swait.ge @!p0 [sflag:s8], $0x0  }
0x24: {  	s3 =	sadd.s32 $0x88, s3;
	s6 =	simm.s32 @!p1 $0x1082;
	[sflag:s4] =	ssyncset.s32 $0xFFFFF086  }
0x25: {  	[simem:s6], [sflag:s4] =	dma.local [hbm:s3], $0xF7A  }
0x26: {  	[smem:$0x3F98] =	sst s1;
	(tag) =	ssettag s2;
	_ =	strace s9  }
0x27: {  	s1 =	sld [smem:$0x3FA8]  }
0x28: {  	s2 =	sld [smem:$0x3FA9]  }
0x29: {  	s4 =	sld [smem:$0x3FAB]  }
0x2a: {  	p0 =	seq.s32 s5, $0x0;
	s5 =	sld [smem:$0x3FAC]  }
0x2b: {  	s6 =	sld [smem:$0x3FAD]  }
0x2c: {  	s7 =	sld [smem:$0x3FAE]  }
0x2d: {  	s3 =	simm.s32 $0x108;
	s8 =	sld [smem:$0x3FAF]  }
0x2e: {  	s3 =	simm.s32 @!p0 $0x1082;
	s9 =	sld [smem:$0x3FB0]  }
0x2f: {  	lr =	sadd.s32 s0, s3;
	s0 =	sld [smem:$0x3FA7]  }
0x30: {  	s3 =	sld [smem:$0x3FAA]  }
0x31: {  	[smem:$0x3FB3] =	sst s10  }
0x32: {  	s10 =	sld [smem:$0x3FB1];
	_ =	sdelay $0x3  }
0x33: {  	p0 =	seq.s32 s10, $0x1;
	s10 =	sld [smem:$0x3FB3];
	_ =	sdelay $0x3  }
0x34: {  	[smem:$0x3FB3] =	sst s10  }
0x35: {  	s10 =	sld [smem:$0x3FB2];
	_ =	sdelay $0x3  }
0x36: {  	p1 =	seq.s32 s10, $0x1;
	s10 =	sld [smem:$0x3FB3];
	_ =	sdelay $0x3  }
0x37: {  	[smem:$0x3FB3] =	sst s10  }
0x38: {  	s10 =	sld [smem:$0x3FB4]  }
0x39: {  	_ = 	snop;
	(pc) =	sbr.ind lr, $3  }
0x3a: {  	_ = 	snop  }
0x3b: {  	_ = 	snop  }
0x3c: {  	p2 =	seq.s32 s10, $0x1;
	s10 =	sld [smem:$0x3FB3]  }
0x3d: {  	_ =	shalt  }
0x3e: {  	_ =	shalt  }
0x3f: {  	_ =	shalt  }
0x40: {  	_ =	shalt  }
0x41: {  	_ =	shalt  }
0x42: {  	_ =	shalt  }
0x43: {  	_ =	shalt  }
0x44: {  	_ =	shalt  }
0x45: {  	_ =	shalt  }
0x46: {  	_ =	shalt  }
0x47: {  	_ =	shalt  }
0x48: {  	_ =	shalt  }
0x49: {  	_ =	shalt  }
0x4a: {  	_ =	shalt  }
0x4b: {  	_ =	shalt  }
0x4c: {  	_ =	shalt  }
0x4d: {  	_ =	shalt  }
0x4e: {  	_ =	shalt  }
0x4f: {  	_ =	shalt  }
0x50: {  	_ =	shalt  }
0x51: {  	_ =	shalt  }
0x52: {  	_ =	shalt  }
0x53: {  	_ =	shalt  }
0x54: {  	_ =	shalt  }
0x55: {  	_ =	shalt  }
0x56: {  	_ =	shalt  }
0x57: {  	_ =	shalt  }
0x58: {  	_ =	shalt  }
0x59: {  	_ =	shalt  }
0x5a: {  	_ =	shalt  }
0x5b: {  	_ =	shalt  }
0x5c: {  	_ =	shalt  }
0x5d: {  	_ =	shalt  }
0x5e: {  	_ =	shalt  }
0x5f: {  	_ =	shalt  }
0x60: {  	_ =	shalt  }
0x61: {  	_ =	shalt  }
0x62: {  	_ =	shalt  }
0x63: {  	_ =	shalt  }
0x64: {  	_ =	shalt  }
0x65: {  	_ =	shalt  }
0x66: {  	_ =	shalt  }
0x67: {  	_ =	shalt  }
0x68: {  	_ =	shalt  }
0x69: {  	_ =	shalt  }
0x6a: {  	_ =	shalt  }
0x6b: {  	_ =	shalt  }
0x6c: {  	_ =	shalt  }
0x6d: {  	_ =	shalt  }
0x6e: {  	_ =	shalt  }
0x6f: {  	_ =	shalt  }
0x70: {  	_ =	shalt  }
0x71: {  	_ =	shalt  }
0x72: {  	_ =	shalt  }
0x73: {  	_ =	shalt  }
0x74: {  	_ =	shalt  }
0x75: {  	_ =	shalt  }
0x76: {  	_ =	shalt  }
0x77: {  	_ =	shalt  }
0x78: {  	_ =	shalt  }
0x79: {  	_ =	shalt  }
0x7a: {  	_ =	shalt  }
0x7b: {  	_ =	shalt  }
0x7c: {  	_ =	shalt  }
0x7d: {  	_ =	shalt  }
0x7e: {  	_ =	shalt  }
0x7f: {  	_ =	shalt  }
0x80: {  	_ =	shalt  }
0x81: {  	_ =	shalt  }
0x82: {  	_ =	shalt  }
0x83: {  	_ =	shalt  }
0x84: {  	_ =	shalt  }
0x85: {  	_ =	shalt  }
0x86: {  	_ =	shalt  }
0x87: {  	_ =	shalt  }
.Lfunc_end0:
.L_simem_size_0:
called_computation_lowered:
.L_overlay_start_0:
0x88: {  	s2 =	sld [smem:$0x3FD9]  }
0x89: {  	s3 =	sld [smem:$0x3FFE];
	_ =	sdelay $0x1  }
0x8a: {  	s1 =	srdreg.scid  }
0x8b: {  	s0 =	sand.u32 $0x1, s1  }
0x8c: {  	s14 =	sshll.u32 s0, $0xA;
	s2 =	sadd.s32 s3, s2  }
0x8d: {  	s2 =	sadd.s32 s2, s14  }
0x8e: {  	[smem:$0x3FBF] =	sst s2  }
0x8f: {  	_ = 	snop  }
0x90: {  	s2 =	sld [smem:$0x3FD0];
	_ =	sdelay $0x2  }
0x91: {  	s15 =	simm.s32 $0xA;
	s4 =	simm.s32 $0x10  }
0x92: {  	[smem:s4], [sflag:s15] =	dma.local [hbm:s2], $0x1  }
0x93: {  	_ =	swait.eq [sflag:s15], $0x1  }
0x94: {  	[sflag:s15] =	ssyncset.done $0x0  }
0x95: {  	s16 =	sld [smem:$0x10];
	[sflag:s15] =	ssyncadd.s32 $0xFFFFFFFF  }
0x96: {  	s17 =	sld [smem:$0x11];
	(tm) =	ssettm $0x1  }
0x97: {  	s18 =	sld [smem:$0x3FFB];
	_ =	sdelay $0x3  }
0x98: {  	_ =	strace s18  }
0x99: {  	s4 =	sld [smem:$0x3FFC];
	_ =	sdelay $0x3  }
0x9a: {  	_ =	strace s4  }
0x9b: {  	s4 =	sld [smem:$0x3FFD];
	_ =	sdelay $0x3  }
0x9c: {  	_ =	strace s4  }
0x9d: {  	_ =	strace $0x8FFFFFFF  }
0x9e: {  	s19 =	sld [smem:$0x3FDB];
	_ =	sdelay $0x1  }
0x9f: {  	s5 =	simm.s32 $_scs_section_size  }
0xa0: {  	s6 =	simm.s32 $_size__tile_overlayer_lowered;
	s7 =	simm.s32 $_tile_overlayer_lowered  }
0xa1: {  	s22 =	simm.s32 $0x1BFF;
	s21 =	sshll.u32 s7, $0x1;
	s4 =	sadd.s32 s5, s19  }
0xa2: {  	s8 =	simm.s32 $0x0;
	s20 =	sshll.u32 s6, $0x1;
	s6 =	sadd.s32 s21, s4  }
0xa3: {  	[timem:s8], [sflag:s22] =	dma.local [hbm:s6], s20  }
0xa4: {  	_ =	swait.ge [sflag:s22], s20  }
0xa5: {  	s5 =	ssub.s32 $0x0, s20;
	[sflag:s22] =	ssyncset.done $0x0  }
0xa6: {  	[sflag:s22] =	ssyncadd.s32 s5;
	_ =	sdelay $0x1  }
0xa7: {  	s23 =	simm.s32 $0x1B8B  }
0xa8: {  	_ =	swait.ge [sflag:s23], $0x1  }
0xa9: {  	[sflag:s23] =	ssyncset.done $0x0  }
0xaa: {  	s25 =	simm.s32 $0x1B8E;
	s24 =	sld [smem:$0x3FFE];
	[sflag:s23] =	ssyncadd.s32 $0xFFFFFFFF  }
0xab: {  	s26 =	simm.s32 $execute0_lowered;
	[smem:$0x3FD2] =	sst s25  }
0xac: {  	s6 =	sshll.u32 s26, $0x1;
	_ =	strace $0x80000046;
	[dreg:$0x1] =	wrdreg $0xFFFFFFFF  }
0xad: {  	s28 =	simm.s32 $_size_execute0_lowered;
	s4 =	sadd.s32 s4, s6;
	[dreg:$0x0] =	wrdreg $0x0  }
0xae: {  	s6 =	sshll.u32 s28, $0x1;
	[dreg:$0x2] =	wrdreg s4  }
0xaf: {  	[dreg:$0x3] =	wrdreg s6  }
0xb0: {  	[dreg:$0x4] =	wrdreg $0xC0  }
0xb1: {  	_ =	task [dreg:s8], $0x5FFFF  }
0xb2: {  	[dreg:$0x1] =	wrdreg $0xFFFFFFFF  }
0xb3: {  	[dreg:$0x0] =	wrdreg $0x60  }
0xb4: {  	[dreg:$0x2] =	wrdreg s24  }
0xb5: {  	[dreg:$0x3] =	wrdreg s17  }
0xb6: {  	[dreg:$0x4] =	wrdreg s16  }
0xb7: {  	[dreg:$0x5] =	wrdreg $0xC0000  }
0xb8: {  	[dreg:$0x6] =	wrdreg $0x9  }
0xb9: {  	_ =	task.clear_ibuf [dreg:s8], $0x7FFFF;
	_ =	strace $0x90000046  }
0xba: {  	s29 =	simm.s32 $0x9;
	_ =	strace $0x80000048  }
0xbb: {  	_ =	swait.ge [sflag:s29], $0x1  }
0xbc: {  	[sflag:s29] =	ssyncadd.s32 $0xFFFFFFFF  }
0xbd: {  	_ =	strace $0x90000048  }
0xbe: {  	_ =	sfence  }
0xbf: {  	s30 =	sld [smem:$0x0];
	_ =	sdelay $0x2  }
0xc0: {  	s31 =	sshll.u32 s1, $0xD;
	s1 =	sshrl.u32 s1, $0x2  }
0xc1: {  	s3 =	sand.u32 $0x4000, s31;
	s1 =	sadd.s32 s1, s30  }
0xc2: {  	s0 =	sor.u32 s3, s0;
	s1 =	sshll.u32 s1, $0x11  }
0xc3: {  	s0 =	sor.u32 s1, s0  }
0xc4: {  	s0 =	sadd.s32 $0x8F2B, s0  }
0xc5: {  	[sflag:s0] =	ssyncadd.remote.s32 $0x1  }
0xc6: {  	_ =	sfence.sel $0xFFFF  }
0xc7: {  	[dreg:$0x0] =	wrdreg $0xFFFFFFFF;
	(pc) =	sbr.abs _section_cstart, $3  }
0xc8: {  	[dreg:$0x1] =	wrdreg $0xFFFFFFFF  }
0xc9: {  	_ =	task.clear_ibuf [dreg:s8], $0x2FFFF;
	_ =	strace $0x9FFFFFFF  }
0xca: {  	(tm) =	ssettm $0x7FFFFFFF  }
0xcb: {  	_ =	shalt  }
tec
execute0_lowered:
.L_overlay_start_1:
0x0: {  	(tag) =	ssettag $0x1  }
0x1: {  	s0 =	rddreg [dreg:$0x0]  }
0x2: {  	s8 =	rddreg [dreg:$0x1]  }
0x3: {  	s11 =	rddreg [dreg:$0x3];
	s1 =	simm.s32 $0x0;
	s25 =	srdreg.scid  }
0x4: {  	s4 =	stileid.u32;
	s18 =	simm.s32 $0x3000;
	s19 =	simm.s32 $0x1  }
0x5: {  	s17 =	simm.s32 $0x800;
	s16 =	simm.s32 $0x1000;
	s20 =	simm.s32 $0x1800  }
0x6: {  	s21 =	simm.s32 $0x2000;
	[smem:$0x7FF] =	sst s1;
	s12 =	sadd.s32 $0x3E000, s0  }
0x7: {  	s14 =	sadd.s32 $0x1F600, s0;
	s15 =	sadd.s32 $0xC00, s0;
	s1 =	sand.u32 $0x1, s25  }
0x8: {  	v0 =	vimm.f32 $1.000000010e-01;
	s2 =	sshll.u32 s4, $0x1;
	s3 =	sadd.s32 $0x5CA00, s0;
	_ =	strace $0x80000047  }
0x9: {  	s26 =	smul.u32 $0xF430, s4;
	s5 =	sadd.s32 $0x7B400, s0;
	[dreg:$0x7] =	wrdreg s3;
	(erf) = vrcp.f32 v0  }
0xa: {  	s28 =	sadd.s32 $0x99E00, s0;
	s0 =	sadd.s32 $0xB8800, s0;
	[dreg:$0x8] =	wrdreg s5  }
0xb: {  	s30 =	smul.u32 $0xF440, s4;
	s2 =	sor.u32 s1, s2;
	[dreg:$0x9] =	wrdreg s28  }
0xc: {  	[dreg:$0xa] =	wrdreg s0;
	s29 =	ssub.s32 $0x2, s1;
	s1 =	smul.u32 $0x7A20, s1  }
0xd: {  	s7 =	sshll.u32 s4, $0x10;
	[dreg:$0x5] =	wrdreg s12;
	s2 =	smul.u32 $0x7A20, s2  }
0xe: {  	[dreg:$0x6] =	wrdreg s14;
	s6 =	sshrl.u32 s29, $0x1;
	s4 =	smin.u32 s26, $0xE4E10  }
0xf: {  	s0 =	ssub.s32 s29, s6;
	[dreg:$0xb] =	wrdreg s4;
	s2 =	smin.u32 s2, $0xEC820  }
0x10: {  	s31 =	sadd.s32 s1, s30;
	s0 =	smax.u32 s0, $0x1;
	[dreg:$0xc] =	wrdreg s2  }
0x11: {  	s22 =	simm.s32 $0x2800;
	v1 =	vimm.f32 $1.000000000e+00;
	v3 =	vimm.s32 $0x0;
	[dreg:$0xd] =	wrdreg s0;
	s0 =	smin.u32 s31, $0xEC820  }
0x12: {  	v4 =	vimm.s32 $0xC4BA7;
	v5 =	vimm.s32 $0x1;
	s13 =	sadd.s32 s7, s11;
	v0 =	vimm.f32 $0.0e+00;
	s1 =	simm.s32 $0x0;
	[dreg:$0xe] =	wrdreg s0;
	v2 =	vpop (erf)  }
.LBB2_1:
0x13: {  	[dreg:$0xf] =	wrdreg s1;
	s0 =	simm.s32 $0x0  }
.LBB2_2:
0x14: {  	p0 =	sne.s32 s0, $0x1FC0  }
.Ltmp0:
0x15: {  	_ = 	snop;
	(pc) =	sbr.rel @p0 .LBB2_2-.Ltmp0, $4  }
0x16: {  	_ = 	snop  }
0x17: {  	s1 =	sshra.s32 s0, $0x2  }
0x18: {  	[tilespmem:s1+$0x3000] =	vst v0  }
0x19: {  	s0 =	sadd.s32 $0x40, s0;
	[tilespmem:s1+$0x2800] =	vst v1  }
0x1a: {  	s0 =	sadd.s32 $0x0, s13  }
0x1b: {  	[spmem:s0] =	stream.linear.scatter [tilespmem:s18], [sflag:$0x1], $0x800, $0x38;
	[tilespmem:$0x1C000] =	vst v63  }
0x1c: {  	s0 =	simm.s32 $0x2000;
	_ =	swait.ge [sflag:s19], $0x800  }
.LBB2_4:
0x1d: {  	s1 =	sshra.s32 s0, $0x2;
	[sflag:s19] =	ssyncset.done $0x0;
	p0 =	sne.s32 s0, $0x3E000  }
.Ltmp1:
0x1e: {  	s1 =	sadd.s32 s1, s13;
	[sflag:s19] =	ssyncadd.s32 $0xFFFFF800;
	(pc) =	sbr.rel @p0 .LBB2_4-.Ltmp1, $3  }
0x1f: {  	[spmem:s1] =	stream.linear.scatter [tilespmem:s18], [sflag:$0x1], $0x800, $0x38;
	[tilespmem:$0x1C000] =	vst v63  }
0x20: {  	s0 =	sadd.s32 $0x2000, s0;
	_ =	sdelay $0x1  }
0x21: {  	_ =	swait.ge [sflag:s19], $0x800  }
0x22: {  	[sflag:s19] =	ssyncset.done $0x0  }
0x23: {  	s0 =	simm.s32 $0x0;
	[sflag:s19] =	ssyncadd.s32 $0xFFFFF800  }
0x24: {  	s1 =	simm.s32 $0x0;
	s2 =	simm.s32 $0x0;
	[bflag:$0x0] =	sbarrier.arrive $0xFFFF  }
.LBB2_6:
0x25: {  	s3 =	sshll.u32 s2, $0xB  }
0x26: {  	s3 =	smin.u32 s3, $0xEC30  }
0x27: {  	s3 =	sadd.s32 s4, s3  }
0x28: {  	s3 =	sshrl.u32 s3, $0x3  }
0x29: {  	s5 =	sadd.s32 s12, s3  }
0x2a: {  	[tilespmem:s0], [sflag:$0x1] =	stream.linear.gather [hbm4b:s5+s0], $0x800, $0x38;
	[tilespmem:$0x1C000] =	vst v63  }
0x2b: {  	_ =	swait.ge [sflag:s19], $0x800  }
0x2c: {  	[sflag:s19] =	ssyncset.done $0x0  }
0x2d: {  	s26 =	sadd.s32 s14, s3;
	[sflag:s19] =	ssyncadd.s32 $0xFFFFF800  }
0x2e: {  	[tilespmem:s17], [sflag:$0x1] =	stream.linear.gather [hbm4b:s26+s0], $0x800, $0x38;
	[tilespmem:$0x1C000] =	vst v63  }
0x2f: {  	_ =	swait.ge [sflag:s19], $0x800  }
0x30: {  	[sflag:s19] =	ssyncset.done $0x0  }
0x31: {  	s28 =	sadd.s32 s15, s3;
	[sflag:s19] =	ssyncadd.s32 $0xFFFFF800  }
0x32: {  	[tilespmem:s16], [sflag:$0x1] =	stream.linear.gather [hbm4b:s28+s0], $0x800, $0x38;
	[tilespmem:$0x1C000] =	vst v63  }
0x33: {  	_ =	swait.ge [sflag:s19], $0x800  }
0x34: {  	[sflag:s19] =	ssyncset.done $0x0  }
0x35: {  	s3 =	sadd.s32 s8, s3;
	[sflag:s19] =	ssyncadd.s32 $0xFFFFF800  }
0x36: {  	[tilespmem:s20], [sflag:$0x1] =	stream.linear.gather [hbm4b:s3+s0], $0x800, $0x38;
	[tilespmem:$0x1C000] =	vst v63  }
0x37: {  	_ =	swait.ge [sflag:s19], $0x800  }
0x38: {  	[sflag:s19] =	ssyncset.done $0x0  }
0x39: {  	s29 =	sand.u32 $0x7F0, s0;
	[sflag:s19] =	ssyncadd.s32 $0xFFFFF800  }
0x3a: {  	v6 =	vld [tilespmem:s29+$0x1800]  }
0x3b: {  	v7 =	vld [tilespmem:s29+$0x1000]  }
0x3c: {  	v8 =	vld [tilespmem:s0+$0x0]  }
0x3d: {  	v9 =	vld [tilespmem:s29+$0x800];
	_ =	sdelay $0x1  }
0x3e: {  	s30 =	smin.u32 s1, $0xEC30  }
0x3f: {  	s3 =	sadd.s32 s30, s4  }
0x40: {  	s31 =	sadd.s32 $0x0, s3;
	v7 =	vmul.f32 v7, v2;
	v10 =	vtrunc.f32 v6  }
0x41: {  	p0 =	sgt.u32 s31, $0x7A11F;
	v8 =	vmul.f32 v8, v2;
	v9 =	vmul.f32 v9, v2  }
0x42: {  	v13 =	vpsel !p0, $0x0, v4;
	v11 =	vcvt.f32.s32 v10;
	v12 =	vtrunc.f32 v7  }
0x43: {  	vm0 =	vlt.f32 v6, v10;
	v14 =	vtrunc.f32 v8;
	v15 =	vcvt.f32.s32 v12  }
0x44: {  	v6 =	vcvt.f32.s32 v14;
	vm1 =	vlt.f32 v8, v14;
	v8 =	vtrunc.f32 v9  }
0x45: {  	v10 =	vsel vm1, $0xFFFFFFFF, v3;
	v63 =	vcvt.f32.s32 v8;
	vm14 =	vlt.f32 v9, v8  }
0x46: {  	vm15 =	vlt.f32 v7, v12;
	v6 =	vadd.s32 v6, v10;
	v8 =	vsel vm14, $0xFFFFFFFF, v3  }
0x47: {  	v7 =	vadd.s32 v63, v8;
	v8 =	vsel vm15, $0xFFFFFFFF, v3;
	v6 =	vmul.u32 $0x6F45D, v6  }
0x48: {  	v9 =	vsel vm0, $0xFFFFFFFF, v3;
	v8 =	vadd.s32 v15, v8;
	v7 =	vmul.u32 $0x740A5, v7  }
0x49: {  	v9 =	vadd.s32 v11, v9;
	v8 =	vmul.u32 $0x9FFB7, v8;
	v6 =	vadd.s32 v13, v6  }
0x4a: {  	v9 =	vmul.u32 $0xAA12D, v9;
	v6 =	vadd.s32 v7, v6  }
0x4b: {  	v6 =	vadd.s32 v8, v6  }
0x4c: {  	v6 =	vadd.s32 v9, v6  }
0x4d: {  	s6 =	simm.s32 $0x10;
	s5 =	simm.s32 $0x2000;
	v6 =	vand.u32 $0xFFFFF, v6  }
0x4e: {  	s10 =	sand.u32 $0x7F0, s6;
	[tilespmem:s5+$0x0] =	vst v6  }
0x4f: {  	v6 =	vld [tilespmem:s10+$0x1800]  }
0x50: {  	v8 =	vld [tilespmem:s10+$0x1000]  }
0x51: {  	s7 =	simm.s32 $0x20;
	s9 =	simm.s32 $0x10;
	v7 =	vld [tilespmem:s6+$0x0]  }
.LBB2_7:
0x52: {  	p0 =	sne.s32 s7, $0x7F0;
	v9 =	vld [tilespmem:s10+$0x800];
	_ =	sdelay $0x2  }
0x53: {  	s10 =	sadd.s32 s6, s3;
	s6 =	smov.u32 s7;
	v10 =	vtrunc.f32 v6;
	v8 =	vmul.f32 v8, v2  }
0x54: {  	p1 =	sgt.u32 s10, $0x7A11F;
	v11 =	vcvt.f32.s32 v10;
	v7 =	vmul.f32 v7, v2  }
0x55: {  	v13 =	vpsel !p1, $0x0, v4;
	v9 =	vmul.f32 v9, v2;
	v12 =	vtrunc.f32 v8  }
0x56: {  	vm0 =	vlt.f32 v6, v10;
	v14 =	vtrunc.f32 v7;
	v15 =	vcvt.f32.s32 v12  }
0x57: {  	v6 =	vcvt.f32.s32 v14;
	vm1 =	vlt.f32 v7, v14;
	v7 =	vtrunc.f32 v9  }
0x58: {  	v10 =	vsel vm1, $0xFFFFFFFF, v3;
	v14 =	vcvt.f32.s32 v7;
	vm1 =	vlt.f32 v9, v7  }
0x59: {  	v6 =	vadd.s32 v6, v10;
	v7 =	vsel vm1, $0xFFFFFFFF, v3;
	vm1 =	vlt.f32 v8, v12  }
0x5a: {  	v7 =	vadd.s32 v14, v7;
	v8 =	vsel vm1, $0xFFFFFFFF, v3;
	v6 =	vmul.u32 $0x6F45D, v6  }
0x5b: {  	v9 =	vsel vm0, $0xFFFFFFFF, v3;
	v8 =	vadd.s32 v15, v8;
	v7 =	vmul.u32 $0x740A5, v7  }
0x5c: {  	v9 =	vadd.s32 v11, v9;
	v8 =	vmul.u32 $0x9FFB7, v8;
	v6 =	vadd.s32 v13, v6  }
0x5d: {  	v9 =	vmul.u32 $0xAA12D, v9;
	v6 =	vadd.s32 v7, v6  }
0x5e: {  	v6 =	vadd.s32 v8, v6  }
0x5f: {  	v6 =	vadd.s32 v9, v6  }
.Ltmp2:
0x60: {  	s5 =	sadd.s32 $0x10, s5;
	v6 =	vand.u32 $0xFFFFF, v6;
	(pc) =	sbr.rel @p0 .LBB2_7-.Ltmp2, $4  }
0x61: {  	s10 =	sand.u32 $0x7F0, s7;
	[tilespmem:s5+$0x0] =	vst v6  }
0x62: {  	v6 =	vld [tilespmem:s10+$0x1800]  }
0x63: {  	s9 =	sadd.s32 $0x10, s9;
	v8 =	vld [tilespmem:s10+$0x1000]  }
0x64: {  	s7 =	sadd.s32 $0x10, s7;
	v7 =	vld [tilespmem:s9+$0x0]  }
0x65: {  	v9 =	vld [tilespmem:s10+$0x800];
	_ =	sdelay $0x2  }
0x66: {  	s3 =	sadd.s32 s6, s3;
	v10 =	vtrunc.f32 v6;
	v8 =	vmul.f32 v8, v2  }
0x67: {  	p0 =	sgt.u32 s3, $0x7A11F;
	v11 =	vcvt.f32.s32 v10;
	v7 =	vmul.f32 v7, v2  }
0x68: {  	v13 =	vpsel !p0, $0x0, v4;
	v9 =	vmul.f32 v9, v2;
	v12 =	vtrunc.f32 v8  }
0x69: {  	vm0 =	vlt.f32 v6, v10;
	v14 =	vtrunc.f32 v7;
	v15 =	vcvt.f32.s32 v12  }
0x6a: {  	v6 =	vcvt.f32.s32 v14;
	vm1 =	vlt.f32 v7, v14;
	v7 =	vtrunc.f32 v9  }
0x6b: {  	v61 =	vsel vm1, $0xFFFFFFFF, v3;
	v62 =	vcvt.f32.s32 v7;
	vm14 =	vlt.f32 v9, v7  }
0x6c: {  	vm15 =	vlt.f32 v8, v12;
	v6 =	vadd.s32 v6, v61;
	v7 =	vsel vm14, $0xFFFFFFFF, v3  }
0x6d: {  	v8 =	vsel vm15, $0xFFFFFFFF, v3;
	v7 =	vadd.s32 v62, v7;
	v6 =	vmul.u32 $0x6F45D, v6  }
0x6e: {  	v63 =	vsel vm0, $0xFFFFFFFF, v3;
	v8 =	vadd.s32 v15, v8;
	v7 =	vmul.u32 $0x740A5, v7  }
0x6f: {  	v9 =	vadd.s32 v11, v63;
	v8 =	vmul.u32 $0x9FFB7, v8;
	v6 =	vadd.s32 v13, v6  }
0x70: {  	v9 =	vmul.u32 $0xAA12D, v9;
	v6 =	vadd.s32 v7, v6  }
0x71: {  	v6 =	vadd.s32 v8, v6  }
0x72: {  	s2 =	sadd.s32 $0x1, s2;
	v6 =	vadd.s32 v9, v6  }
0x73: {  	s31 =	sadd.s32 $0x10, s5;
	p0 =	sne.s32 s2, $0x1F;
	v6 =	vand.u32 $0xFFFFF, v6  }
.Ltmp3:
0x74: {  	[tilespmem:s31+$0x0] =	vst v6;
	(pc) =	sbr.rel @p0 .LBB2_6-.Ltmp3, $4  }
0x75: {  	[spmem:s11] =	stream.indirect.scatter.add.f32 [tilespmem:s22], [sflag:$0x1], $0x1, s21, s17, $0xb8;
	[tilespmem:$0x1C000] =	vst v63  }
0x76: {  	_ =	swait.ge [sflag:s19], $0x800  }
0x77: {  	[sflag:s19] =	ssyncset.done $0x0  }
0x78: {  	s1 =	sadd.s32 $0x800, s1;
	[sflag:s19] =	ssyncadd.s32 $0xFFFFF800  }
0x79: {  	[bflag:$0x0] =	sbarrier.arrive $0xFFFF;
	s16 =	simm.s32 $0x0;
	s0 =	simm.s32 $0x0  }
.LBB2_10:
0x7a: {  	s1 =	sshll.u32 s0, $0xB  }
0x7b: {  	s2 =	rddreg [dreg:$0xc];
	s1 =	smin.u32 s1, $0x7220  }
0x7c: {  	s1 =	sadd.s32 s2, s1  }
0x7d: {  	s2 =	sshrl.u32 s1, $0x3  }
0x7e: {  	s3 =	simm.s32 $0x0;
	s1 =	sadd.s32 s12, s2  }
0x7f: {  	[tilespmem:s3], [sflag:$0x1] =	stream.linear.gather [hbm4b:s1+s3], $0x800, $0x38;
	[tilespmem:$0x1C000] =	vst v63  }
0x80: {  	_ =	swait.ge [sflag:s19], $0x800  }
0x81: {  	[sflag:s19] =	ssyncset.done $0x0  }
0x82: {  	s14 =	sadd.s32 s14, s2;
	[sflag:s19] =	ssyncadd.s32 $0xFFFFF800  }
0x83: {  	[tilespmem:s17], [sflag:$0x1] =	stream.linear.gather [hbm4b:s14+s3], $0x800, $0x38;
	[tilespmem:$0x1C000] =	vst v63  }
0x84: {  	_ =	swait.ge [sflag:s19], $0x800  }
0x85: {  	[sflag:s19] =	ssyncset.done $0x0  }
0x86: {  	s7 =	simm.s32 $0x1000;
	s21 =	sadd.s32 s15, s2;
	[sflag:s19] =	ssyncadd.s32 $0xFFFFF800  }
0x87: {  	[tilespmem:s7], [sflag:$0x1] =	stream.linear.gather [hbm4b:s21+s3], $0x800, $0x38;
	[tilespmem:$0x1C000] =	vst v63  }
0x88: {  	_ =	swait.ge [sflag:s19], $0x800  }
0x89: {  	[sflag:s19] =	ssyncset.done $0x0  }
0x8a: {  	s22 =	sadd.s32 s8, s2;
	[sflag:s19] =	ssyncadd.s32 $0xFFFFF800  }
0x8b: {  	[tilespmem:s20], [sflag:$0x1] =	stream.linear.gather [hbm4b:s22+s3], $0x800, $0x38;
	[tilespmem:$0x1C000] =	vst v63  }
0x8c: {  	_ =	swait.ge [sflag:s19], $0x800  }
0x8d: {  	[sflag:s19] =	ssyncset.done $0x0  }
0x8e: {  	[sflag:s19] =	ssyncadd.s32 $0xFFFFF800  }
0x8f: {  	v6 =	vld [tilespmem:s7+$0x0]  }
0x90: {  	v8 =	vld [tilespmem:s7+$0xFFFFF000]  }
0x91: {  	v9 =	vld [tilespmem:s7+$0xFFFFF800];
	_ =	sdelay $0x1  }
0x92: {  	s4 =	smov.u32 s11;
	s5 =	smov.u32 s15  }
0x93: {  	s23 =	smin.u32 s16, $0x7220;
	s10 =	simm.s32 $0x2000;
	s9 =	simm.s32 $0x4800  }
0x94: {  	s11 =	simm.s32 $0xB000;
	s29 =	simm.s32 $0x10;
	s31 =	simm.s32 $0x2010;
	v10 =	vmul.f32 v6, v2;
	v8 =	vmul.f32 v8, v2  }
0x95: {  	s30 =	simm.s32 $0x4810;
	s28 =	simm.s32 $0x1020;
	s6 =	simm.s32 $0x1030;
	v12 =	vmul.f32 v9, v2  }
0x96: {  	s15 =	simm.s32 $0x2020;
	s12 =	simm.s32 $0x0;
	s24 =	rddreg [dreg:$0xe];
	v11 =	vtrunc.f32 v10;
	v13 =	vtrunc.f32 v8  }
0x97: {  	s14 =	smov.u32 s8;
	s17 =	simm.s32 $0x4820;
	s26 =	sadd.s32 s23, s24;
	v9 =	vcvt.f32.s32 v11;
	vm1 =	vlt.f32 v8, v13;
	v8 =	vtrunc.f32 v12  }
0x98: {  	s21 =	simm.s32 $0x20;
	s1 =	sadd.s32 $0x0, s26;
	s25 =	sadd.s32 $0x10, s26;
	vm0 =	vlt.f32 v10, v11;
	v11 =	vcvt.f32.s32 v8;
	vm15 =	vlt.f32 v12, v8;
	v8 =	vld [tilespmem:s7+$0x800]  }
0x99: {  	s3 =	simm.s32 $0x1010;
	p0 =	sgt.u32 s1, $0x7A11F;
	p6 =	sgt.u32 s25, $0x7A11F;
	v10 =	vcvt.f32.s32 v13  }
0x9a: {  	s22 =	simm.s32 $0xB020;
	s20 =	simm.s32 $0x30;
	s24 =	simm.s32 $0xB020;
	v7 =	vpsel !p0, $0x0, v4;
	v6 =	vpsel !p6, $0x0, v4;
	v13 =	vsel vm1, $0xFFFFFFFF, v3  }
0x9b: {  	s23 =	simm.s32 $0x4820;
	s1 =	simm.s32 $0xB010;
	s25 =	simm.s32 $0x2020;
	v10 =	vadd.s32 v10, v13;
	v12 =	vsel vm15, $0xFFFFFFFF, v3;
	v13 =	vsel vm0, $0xFFFFFFFF, v3  }
.LBB2_11:
0x9c: {  	s15 =	sadd.s32 $0x10, s15;
	s17 =	sadd.s32 $0x10, s17;
	s22 =	sadd.s32 $0x10, s22;
	v11 =	vadd.s32 v11, v12;
	v9 =	vadd.s32 v9, v13;
	v12 =	vmul.u32 $0x6F45D, v10  }
0x9d: {  	p0 =	sne.s32 s20, $0x7F0;
	v13 =	vtrunc.f32 v8;
	s7 =	smov.u32 s20;
	s20 =	sadd.s32 $0x10, s20;
	v14 =	vcvt.s32.f32 v11;
	v11 =	vmul.u32 $0x740A5, v11  }
0x9e: {  	v10 =	vcvt.s32.f32 v10;
	v15 =	vcvt.f32.s32 v13;
	v12 =	vadd.s32 v7, v12;
	v7 =	vmovc v6  }
0x9f: {  	vm0 =	vlt.f32 v8, v13;
	v6 =	vmul.f32 $1.000000010e-01, v14;
	v8 =	vadd.s32 v11, v12  }
0xa0: {  	v10 =	vmul.f32 $1.000000010e-01, v10;
	v11 =	vsel vm0, $0xFFFFFFFF, v3;
	v12 =	vmul.u32 $0x9FFB7, v9  }
0xa1: {  	v11 =	vadd.s32 v15, v11;
	[tilespmem:s11+$0xFFFFF800] =	vst v6;
	v6 =	vcvt.s32.f32 v9  }
0xa2: {  	v9 =	vcvt.s32.f32 v11;
	v8 =	vadd.s32 v12, v8;
	[tilespmem:s11+$0xFFFFF000] =	vst v10;
	v10 =	vmul.u32 $0xAA12D, v11  }
0xa3: {  	v6 =	vmul.f32 $1.000000010e-01, v6  }
0xa4: {  	[tilespmem:s11+$0x800] =	vst v9;
	v8 =	vadd.s32 v10, v8  }
0xa5: {  	[tilespmem:s11+$0x0] =	vst v6;
	v6 =	vand.u32 $0xFFFFF, v8;
	v9 =	vadd.s32 $0x6F45D, v8;
	v10 =	vadd.s32 $0x90BA3, v8;
	s11 =	smov.u32 s1;
	s1 =	smov.u32 s24;
	s24 =	smov.u32 s22  }
0xa6: {  	v11 =	vadd.s32 $0x8BF5B, v8;
	[tilespmem:s10+$0x0] =	vst v6;
	v6 =	vand.u32 $0xFFFFF, v9;
	v9 =	vadd.s32 $0x740A5, v8;
	s10 =	smov.u32 s31;
	s31 =	smov.u32 s25;
	s25 =	smov.u32 s15  }
0xa7: {  	s8 =	sadd.s32 s21, s26;
	v10 =	vand.u32 $0xFFFFF, v10;
	[tilespmem:s9+$0xFFFFF000] =	vst v6;
	v6 =	vand.u32 $0xFFFFF, v9;
	v9 =	vand.u32 $0xFFFFF, v11  }
0xa8: {  	p1 =	sgt.u32 s8, $0x7A11F;
	v11 =	vadd.s32 $0x9FFB7, v8;
	v8 =	vadd.s32 $0x60049, v8;
	[tilespmem:s9+$0x0] =	vst v6  }
0xa9: {  	[tilespmem:s9+$0x800] =	vst v9  }
0xaa: {  	s8 =	sand.u32 $0x7F0, s12;
	v6 =	vpsel !p1, $0x0, v4;
	v8 =	vand.u32 $0xFFFFF, v8;
	v9 =	vand.u32 $0xFFFFF, v11;
	[tilespmem:s9+$0xFFFFF800] =	vst v10;
	s9 =	smov.u32 s30;
	s30 =	smov.u32 s23  }
0xab: {  	s12 =	smov.u32 s29;
	s29 =	smov.u32 s21;
	s23 =	smov.u32 s17;
	[tilespmem:s8+$0x5800] =	vst v9  }
0xac: {  	s21 =	smov.u32 s7;
	[tilespmem:s8+$0x6000] =	vst v8  }
0xad: {  	v8 =	vld [tilespmem:s3+$0x0]  }
0xae: {  	v9 =	vld [tilespmem:s3+$0xFFFFF000]  }
0xaf: {  	v10 =	vld [tilespmem:s3+$0xFFFFF800];
	_ =	sdelay $0x2  }
0xb0: {  	v11 =	vmul.f32 v8, v2  }
0xb1: {  	v8 =	vld [tilespmem:s3+$0x800];
	v12 =	vmul.f32 v9, v2;
	s3 =	smov.u32 s28;
	s28 =	smov.u32 s6  }
.Ltmp4:
0xb2: {  	v10 =	vmul.f32 v10, v2;
	v13 =	vtrunc.f32 v11;
	(pc) =	sbr.rel @p0 .LBB2_11-.Ltmp4, $4  }
0xb3: {  	v14 =	vtrunc.f32 v12;
	v9 =	vcvt.f32.s32 v13;
	vm0 =	vlt.f32 v11, v13  }
0xb4: {  	v13 =	vcvt.f32.s32 v14;
	vm1 =	vlt.f32 v12, v14;
	v12 =	vtrunc.f32 v10  }
0xb5: {  	v14 =	vsel vm1, $0xFFFFFFFF, v3;
	v11 =	vcvt.f32.s32 v12;
	vm1 =	vlt.f32 v10, v12  }
0xb6: {  	s6 =	sadd.s32 $0x10, s6;
	v10 =	vadd.s32 v13, v14;
	v12 =	vsel vm1, $0xFFFFFFFF, v3;
	v13 =	vsel vm0, $0xFFFFFFFF, v3  }
0xb7: {  	v11 =	vadd.s32 v11, v12  }
0xb8: {  	v9 =	vadd.s32 v9, v13;
	v18 =	vmul.u32 $0x6F45D, v10;
	v19 =	vtrunc.f32 v8  }
0xb9: {  	v20 =	vcvt.s32.f32 v10;
	v14 =	vcvt.s32.f32 v11;
	v11 =	vmul.u32 $0x740A5, v11  }
0xba: {  	v15 =	vcvt.f32.s32 v19;
	vm0 =	vlt.f32 v8, v19;
	v22 =	vmul.u32 $0x9FFB7, v9  }
0xbb: {  	v9 =	vcvt.s32.f32 v9;
	v21 =	vsel vm0, $0xFFFFFFFF, v3;
	v10 =	vmul.f32 $1.000000010e-01, v20  }
0xbc: {  	v7 =	vadd.s32 v7, v18;
	v8 =	vmul.f32 $1.000000010e-01, v14;
	v12 =	vadd.s32 v15, v21  }
0xbd: {  	v7 =	vadd.s32 v11, v7;
	v9 =	vmul.f32 $1.000000010e-01, v9;
	v23 =	vmul.u32 $0xAA12D, v12;
	[tilespmem:s11+$0xFFFFF000] =	vst v10  }
0xbe: {  	v7 =	vadd.s32 v22, v7;
	[tilespmem:s11+$0xFFFFF800] =	vst v8;
	v8 =	vcvt.s32.f32 v12  }
0xbf: {  	[tilespmem:s11+$0x0] =	vst v9;
	v7 =	vadd.s32 v23, v7  }
0xc0: {  	[tilespmem:s11+$0x800] =	vst v8;
	v8 =	vand.u32 $0xFFFFF, v7;
	v24 =	vadd.s32 $0x6F45D, v7  }
0xc1: {  	v26 =	vadd.s32 $0x8BF5B, v7;
	[tilespmem:s10+$0x0] =	vst v8;
	v8 =	vand.u32 $0xFFFFF, v24  }
0xc2: {  	v25 =	vadd.s32 $0x740A5, v7;
	v10 =	vand.u32 $0xFFFFF, v26;
	[tilespmem:s9+$0xFFFFF000] =	vst v8  }
0xc3: {  	v27 =	vadd.s32 $0x90BA3, v7;
	v8 =	vand.u32 $0xFFFFF, v25;
	[tilespmem:s9+$0x800] =	vst v10  }
0xc4: {  	v28 =	vadd.s32 $0x9FFB7, v7;
	[tilespmem:s9+$0x0] =	vst v8;
	v8 =	vand.u32 $0xFFFFF, v27  }
0xc5: {  	s6 =	sand.u32 $0x7F0, s12;
	v7 =	vadd.s32 $0x60049, v7;
	[tilespmem:s9+$0xFFFFF800] =	vst v8;
	v8 =	vand.u32 $0xFFFFF, v28  }
0xc6: {  	v7 =	vand.u32 $0xFFFFF, v7;
	[tilespmem:s6+$0x5800] =	vst v8  }
0xc7: {  	[tilespmem:s6+$0x6000] =	vst v7  }
0xc8: {  	v7 =	vld [tilespmem:s3+$0x0]  }
0xc9: {  	v8 =	vld [tilespmem:s3+$0xFFFFF000]  }
0xca: {  	v31 =	vld [tilespmem:s3+$0x800]  }
0xcb: {  	v29 =	vld [tilespmem:s3+$0xFFFFF800];
	_ =	sdelay $0x2  }
0xcc: {  	v7 =	vmul.f32 v7, v2  }
0xcd: {  	v8 =	vmul.f32 v8, v2;
	v38 =	vtrunc.f32 v31  }
0xce: {  	v9 =	vmul.f32 v29, v2;
	v40 =	vcvt.f32.s32 v38  }
0xcf: {  	vm5 =	vlt.f32 v31, v38;
	v30 =	vtrunc.f32 v7;
	v32 =	vtrunc.f32 v8  }
0xd0: {  	v35 =	vtrunc.f32 v9;
	v11 =	vsel vm5, $0xFFFFFFFF, v3;
	v33 =	vcvt.f32.s32 v30  }
0xd1: {  	vm15 =	vlt.f32 v8, v32;
	v8 =	vcvt.f32.s32 v35;
	vm1 =	vlt.f32 v9, v35  }
0xd2: {  	v34 =	vcvt.f32.s32 v32;
	vm4 =	vlt.f32 v7, v30;
	v7 =	vsel vm1, $0xFFFFFFFF, v3  }
0xd3: {  	v36 =	vsel vm15, $0xFFFFFFFF, v3;
	v10 =	vsel vm4, $0xFFFFFFFF, v3;
	v7 =	vadd.s32 v8, v7  }
0xd4: {  	v9 =	vadd.s32 v34, v36;
	v8 =	vadd.s32 v33, v10;
	v39 =	vcvt.s32.f32 v7  }
0xd5: {  	v37 =	vmul.u32 $0x6F45D, v9;
	v7 =	vmul.u32 $0x740A5, v7;
	v9 =	vcvt.s32.f32 v9  }
0xd6: {  	v42 =	vmul.u32 $0x9FFB7, v8;
	v8 =	vcvt.s32.f32 v8;
	v41 =	vmul.f32 $1.000000010e-01, v39  }
0xd7: {  	v11 =	vadd.s32 v40, v11;
	v6 =	vadd.s32 v6, v37;
	v9 =	vmul.f32 $1.000000010e-01, v9  }
0xd8: {  	v43 =	vmul.u32 $0xAA12D, v11;
	v8 =	vmul.f32 $1.000000010e-01, v8;
	v6 =	vadd.s32 v7, v6;
	[tilespmem:s1+$0xFFFFF800] =	vst v41  }
0xd9: {  	v7 =	vcvt.s32.f32 v11;
	[tilespmem:s1+$0xFFFFF000] =	vst v9;
	v6 =	vadd.s32 v42, v6  }
0xda: {  	[tilespmem:s1+$0x0] =	vst v8;
	v6 =	vadd.s32 v43, v6  }
0xdb: {  	[tilespmem:s1+$0x800] =	vst v7;
	v7 =	vand.u32 $0xFFFFF, v6;
	v8 =	vadd.s32 $0x6F45D, v6  }
0xdc: {  	v44 =	vadd.s32 $0x8BF5B, v6;
	[tilespmem:s31+$0x0] =	vst v7;
	v7 =	vand.u32 $0xFFFFF, v8  }
0xdd: {  	v8 =	vadd.s32 $0x740A5, v6;
	v9 =	vand.u32 $0xFFFFF, v44;
	[tilespmem:s30+$0xFFFFF000] =	vst v7  }
0xde: {  	v7 =	vand.u32 $0xFFFFF, v8;
	v8 =	vadd.s32 $0x90BA3, v6;
	[tilespmem:s30+$0x800] =	vst v9  }
0xdf: {  	[tilespmem:s30+$0x0] =	vst v7;
	v7 =	vand.u32 $0xFFFFF, v8;
	v8 =	vadd.s32 $0x9FFB7, v6  }
0xe0: {  	s20 =	sand.u32 $0x7F0, s29;
	v6 =	vadd.s32 $0x60049, v6;
	[tilespmem:s30+$0xFFFFF800] =	vst v7;
	v7 =	vand.u32 $0xFFFFF, v8  }
0xe1: {  	v6 =	vand.u32 $0xFFFFF, v6;
	[tilespmem:s20+$0x5800] =	vst v7  }
0xe2: {  	[tilespmem:s20+$0x6000] =	vst v6  }
0xe3: {  	v6 =	vld [tilespmem:s28+$0x0]  }
0xe4: {  	v7 =	vld [tilespmem:s28+$0xFFFFF000]  }
0xe5: {  	v46 =	vld [tilespmem:s28+$0x800]  }
0xe6: {  	v8 =	vld [tilespmem:s28+$0xFFFFF800];
	_ =	sdelay $0x2  }
0xe7: {  	s22 =	sadd.s32 s21, s26;
	v6 =	vmul.f32 v6, v2  }
0xe8: {  	p0 =	sgt.u32 s22, $0x7A11F;
	v7 =	vmul.f32 v7, v2;
	v53 =	vtrunc.f32 v46  }
0xe9: {  	v49 =	vpsel !p0, $0x0, v4;
	v8 =	vmul.f32 v8, v2;
	v55 =	vcvt.f32.s32 v53  }
0xea: {  	vm9 =	vlt.f32 v46, v53;
	v45 =	vtrunc.f32 v6;
	v47 =	vtrunc.f32 v7  }
0xeb: {  	v51 =	vtrunc.f32 v8;
	v11 =	vsel vm9, $0xFFFFFFFF, v3;
	v48 =	vcvt.f32.s32 v45  }
0xec: {  	v50 =	vcvt.f32.s32 v47;
	vm6 =	vlt.f32 v7, v47;
	v7 =	vcvt.f32.s32 v51  }
0xed: {  	vm7 =	vlt.f32 v8, v51;
	vm8 =	vlt.f32 v6, v45;
	v11 =	vadd.s32 v55, v11  }
0xee: {  	v8 =	vsel vm6, $0xFFFFFFFF, v3;
	v6 =	vsel vm7, $0xFFFFFFFF, v3;
	v9 =	vsel vm8, $0xFFFFFFFF, v3  }
0xef: {  	v58 =	vcvt.s32.f32 v11;
	v8 =	vadd.s32 v50, v8;
	v6 =	vadd.s32 v7, v6  }
0xf0: {  	v7 =	vadd.s32 v48, v9;
	v52 =	vmul.u32 $0x6F45D, v8;
	v54 =	vcvt.s32.f32 v6  }
0xf1: {  	v6 =	vmul.u32 $0x740A5, v6;
	v8 =	vcvt.s32.f32 v8;
	v57 =	vmul.u32 $0x9FFB7, v7  }
0xf2: {  	v7 =	vcvt.s32.f32 v7;
	v9 =	vadd.s32 v49, v52;
	v56 =	vmul.f32 $1.000000010e-01, v54  }
0xf3: {  	v59 =	vmul.u32 $0xAA12D, v11;
	[tilespmem:s24+$0x800] =	vst v58;
	v8 =	vmul.f32 $1.000000010e-01, v8;
	v6 =	vadd.s32 v6, v9  }
0xf4: {  	v7 =	vmul.f32 $1.000000010e-01, v7;
	[tilespmem:s24+$0xFFFFF800] =	vst v56;
	v6 =	vadd.s32 v57, v6  }
0xf5: {  	[tilespmem:s24+$0xFFFFF000] =	vst v8;
	v6 =	vadd.s32 v59, v6  }
0xf6: {  	[tilespmem:s24+$0x0] =	vst v7;
	v7 =	vand.u32 $0xFFFFF, v6;
	v8 =	vadd.s32 $0x6F45D, v6  }
0xf7: {  	v60 =	vadd.s32 $0x8BF5B, v6;
	[tilespmem:s25+$0x0] =	vst v7;
	v7 =	vand.u32 $0xFFFFF, v8  }
0xf8: {  	v8 =	vadd.s32 $0x740A5, v6;
	v9 =	vand.u32 $0xFFFFF, v60;
	[tilespmem:s23+$0xFFFFF000] =	vst v7  }
0xf9: {  	v7 =	vand.u32 $0xFFFFF, v8;
	v8 =	vadd.s32 $0x90BA3, v6;
	[tilespmem:s23+$0x800] =	vst v9  }
0xfa: {  	[tilespmem:s23+$0x0] =	vst v7;
	v7 =	vand.u32 $0xFFFFF, v8;
	v8 =	vadd.s32 $0x9FFB7, v6  }
0xfb: {  	s25 =	sand.u32 $0x7F0, s21;
	v6 =	vadd.s32 $0x60049, v6;
	[tilespmem:s23+$0xFFFFF800] =	vst v7;
	v7 =	vand.u32 $0xFFFFF, v8  }
0xfc: {  	v6 =	vand.u32 $0xFFFFF, v6;
	[tilespmem:s25+$0x5800] =	vst v7  }
0xfd: {  	s26 =	simm.s32 $0x6800;
	s28 =	simm.s32 $0x3800;
	[tilespmem:s25+$0x6000] =	vst v6  }
0xfe: {  	[tilespmem:s26], [sflag:$0x1] =	stream.indirect.gather [spmem:s4], $0x1, s28, s18, $0xb8;
	[tilespmem:$0x1C000] =	vst v63  }
0xff: {  	_ =	swait.ge [sflag:s19], $0x3000  }
0x100: {  	[sflag:s19] =	ssyncset.done $0x0  }
0x101: {  	s29 =	simm.s32 $0x0;
	[sflag:s19] =	ssyncadd.s32 $0xFFFFD000  }
0x102: {  	s30 =	sand.u32 $0x7F0, s29;
	v6 =	vld [tilespmem:s26+$0x0]  }
0x103: {  	v7 =	vld [tilespmem:s30+$0x7000]  }
0x104: {  	v8 =	vld [tilespmem:s30+$0x7800]  }
0x105: {  	v61 =	vld [tilespmem:s30+$0x8000]  }
0x106: {  	v62 =	vld [tilespmem:s30+$0x8800]  }
0x107: {  	v63 =	vld [tilespmem:s30+$0x9000]  }
0x108: {  	vm10 =	vgt.f32 v6, $0.0e+00;
	vm11 =	vgt.f32 v7, $0.0e+00  }
0x109: {  	vm12 =	vgt.f32 v8, $0.0e+00;
	v6 =	vsel vm10, $0x3, v5;
	v7 =	vsel vm11, $0x4, v3  }
0x10a: {  	vm13 =	vgt.f32 v61, $0.0e+00;
	v6 =	vor.u32 v6, v7;
	v7 =	vsel vm12, $0x8, v3  }
0x10b: {  	vm14 =	vgt.f32 v62, $0.0e+00;
	v6 =	vor.u32 v7, v6;
	v7 =	vsel vm13, $0x10, v3  }
0x10c: {  	vm15 =	vgt.f32 v63, $0.0e+00;
	v6 =	vor.u32 v7, v6;
	v7 =	vsel vm14, $0x20, v3  }
0x10d: {  	v6 =	vor.u32 v7, v6;
	v7 =	vsel vm15, $0x40, v3  }
0x10e: {  	s1 =	simm.s32 $0x9800;
	v6 =	vor.u32 v7, v6  }
0x10f: {  	s3 =	simm.s32 $0x6810;
	s31 =	simm.s32 $0x10;
	[tilespmem:s1+$0x0] =	vst v6  }
0x110: {  	s11 =	smov.u32 s4;
	s6 =	simm.s32 $0x20;
	s7 =	sand.u32 $0x7F0, s31;
	v6 =	vld [tilespmem:s3+$0x0]  }
.LBB2_13:
0x111: {  	p0 =	sne.s32 s6, $0x7F0;
	v7 =	vld [tilespmem:s7+$0x7000]  }
0x112: {  	v8 =	vld [tilespmem:s7+$0x7800]  }
0x113: {  	v9 =	vld [tilespmem:s7+$0x8000]  }
0x114: {  	v10 =	vld [tilespmem:s7+$0x8800]  }
0x115: {  	v11 =	vld [tilespmem:s7+$0x9000]  }
0x116: {  	vm0 =	vgt.f32 v6, $0.0e+00;
	vm1 =	vgt.f32 v7, $0.0e+00  }
0x117: {  	v6 =	vsel vm0, $0x3, v5;
	v7 =	vsel vm1, $0x4, v3;
	vm0 =	vgt.f32 v8, $0.0e+00  }
0x118: {  	v6 =	vor.u32 v6, v7;
	v7 =	vsel vm0, $0x8, v3;
	vm0 =	vgt.f32 v9, $0.0e+00  }
0x119: {  	v6 =	vor.u32 v7, v6;
	v7 =	vsel vm0, $0x10, v3;
	vm0 =	vgt.f32 v10, $0.0e+00  }
.Ltmp5:
0x11a: {  	v6 =	vor.u32 v7, v6;
	v7 =	vsel vm0, $0x20, v3;
	vm0 =	vgt.f32 v11, $0.0e+00;
	(pc) =	sbr.rel @p0 .LBB2_13-.Ltmp5, $4  }
0x11b: {  	v6 =	vor.u32 v7, v6;
	v7 =	vsel vm0, $0x40, v3  }
0x11c: {  	s1 =	sadd.s32 $0x10, s1;
	v6 =	vor.u32 v7, v6  }
0x11d: {  	s3 =	sadd.s32 $0x10, s3;
	[tilespmem:s1+$0x0] =	vst v6  }
0x11e: {  	s7 =	sand.u32 $0x7F0, s6;
	s6 =	sadd.s32 $0x10, s6;
	v6 =	vld [tilespmem:s3+$0x0]  }
0x11f: {  	v7 =	vld [tilespmem:s7+$0x7000]  }
0x120: {  	v8 =	vld [tilespmem:s7+$0x7800]  }
0x121: {  	v9 =	vld [tilespmem:s7+$0x8000]  }
0x122: {  	v10 =	vld [tilespmem:s7+$0x8800]  }
0x123: {  	v11 =	vld [tilespmem:s7+$0x9000]  }
0x124: {  	vm0 =	vgt.f32 v6, $0.0e+00;
	vm1 =	vgt.f32 v7, $0.0e+00  }
0x125: {  	v6 =	vsel vm0, $0x3, v5;
	vm12 =	vgt.f32 v8, $0.0e+00;
	v7 =	vsel vm1, $0x4, v3  }
0x126: {  	vm13 =	vgt.f32 v9, $0.0e+00;
	v6 =	vor.u32 v6, v7;
	v7 =	vsel vm12, $0x8, v3  }
0x127: {  	vm14 =	vgt.f32 v10, $0.0e+00;
	v6 =	vor.u32 v7, v6;
	v7 =	vsel vm13, $0x10, v3  }
0x128: {  	vm15 =	vgt.f32 v11, $0.0e+00;
	v6 =	vor.u32 v7, v6;
	v7 =	vsel vm14, $0x20, v3  }
0x129: {  	v6 =	vor.u32 v7, v6;
	v7 =	vsel vm15, $0x40, v3  }
0x12a: {  	s1 =	sadd.s32 $0x10, s1;
	s22 =	rddreg [dreg:$0x2];
	v6 =	vor.u32 v7, v6  }
0x12b: {  	s3 =	simm.s32 $0x0;
	s4 =	simm.s32 $0x9800;
	[tilespmem:s1+$0x0] =	vst v6;
	s1 =	sadd.s32 s22, s2  }
0x12c: {  	[hbm4b:s1+s3] =	stream.linear.scatter [tilespmem:s4], [sflag:$0x1], $0x800, $0x38;
	[tilespmem:$0x1C000] =	vst v63  }
0x12d: {  	_ =	swait.ge [sflag:s19], $0x800  }
0x12e: {  	[sflag:s19] =	ssyncset.done $0x0;
	s23 =	rddreg [dreg:$0x7]  }
0x12f: {  	s24 =	simm.s32 $0xA000;
	[sflag:s19] =	ssyncadd.s32 $0xFFFFF800;
	s1 =	sadd.s32 s23, s2  }
0x130: {  	[hbm4b:s1+s3] =	stream.linear.scatter [tilespmem:s24], [sflag:$0x1], $0x800, $0x38;
	[tilespmem:$0x1C000] =	vst v63  }
0x131: {  	_ =	swait.ge [sflag:s19], $0x800  }
0x132: {  	[sflag:s19] =	ssyncset.done $0x0;
	s25 =	rddreg [dreg:$0x8]  }
0x133: {  	s26 =	simm.s32 $0xA800;
	[sflag:s19] =	ssyncadd.s32 $0xFFFFF800;
	s1 =	sadd.s32 s25, s2  }
0x134: {  	[hbm4b:s1+s3] =	stream.linear.scatter [tilespmem:s26], [sflag:$0x1], $0x800, $0x38;
	[tilespmem:$0x1C000] =	vst v63  }
0x135: {  	_ =	swait.ge [sflag:s19], $0x800  }
0x136: {  	s29 =	simm.s32 $0xB000;
	[sflag:s19] =	ssyncset.done $0x0;
	s28 =	rddreg [dreg:$0x9]  }
0x137: {  	s31 =	simm.s32 $0xB800;
	[sflag:s19] =	ssyncadd.s32 $0xFFFFF800;
	s1 =	sadd.s32 s28, s2  }
0x138: {  	[hbm4b:s1+s3] =	stream.linear.scatter [tilespmem:s29], [sflag:$0x1], $0x800, $0x38;
	[tilespmem:$0x1C000] =	vst v63  }
0x139: {  	s0 =	sadd.s32 $0x1, s0;
	s16 =	sadd.s32 $0x800, s16;
	_ =	swait.ge [sflag:s19], $0x800  }
0x13a: {  	p0 =	sne.s32 s0, $0x10;
	[sflag:s19] =	ssyncset.done $0x0;
	s30 =	rddreg [dreg:$0xa]  }
.Ltmp6:
0x13b: {  	[sflag:s19] =	ssyncadd.s32 $0xFFFFF800;
	s1 =	sadd.s32 s30, s2;
	(pc) =	sbr.rel @p0 .LBB2_10-.Ltmp6, $4  }
0x13c: {  	[hbm4b:s1+s3] =	stream.linear.scatter [tilespmem:s31], [sflag:$0x1], $0x800, $0x38;
	[tilespmem:$0x1C000] =	vst v63  }
0x13d: {  	s8 =	smov.u32 s14;
	s15 =	smov.u32 s5;
	_ =	swait.ge [sflag:s19], $0x800  }
0x13e: {  	s17 =	simm.s32 $0x800;
	[sflag:s19] =	ssyncset.done $0x0;
	s12 =	rddreg [dreg:$0x5]  }
0x13f: {  	s20 =	simm.s32 $0x1800;
	s14 =	rddreg [dreg:$0x6];
	[sflag:s19] =	ssyncadd.s32 $0xFFFFF800  }
0x140: {  	s1 =	rddreg [dreg:$0xf]  }
0x141: {  	s0 =	rddreg [dreg:$0xd];
	s1 =	sadd.s32 $0x1, s1  }
0x142: {  	p0 =	sne.s32 s1, s0  }
.Ltmp7:
0x143: {  	_ = 	snop;
	(pc) =	sbr.rel @p0 .LBB2_1-.Ltmp7, $3  }
0x144: {  	_ =	sdelay $0x1  }
0x145: {  	s4 =	rddreg [dreg:$0xb]  }
0x146: {  	s16 =	simm.s32 $0x1000;
	s21 =	simm.s32 $0x2000;
	s22 =	simm.s32 $0x2800  }
0x147: {  	_ =	sfence.sel $0x180000  }
0x148: {  	[bflag:$0x0] =	sbarrier.arrive $0xFFFF  }
0x149: {  	_ =	strace $0x90000047  }
0x14a: {  	s0 =	stileid.u32;
	[bflag:$0x2] =	sbarrier.arrive $0xFFFF  }
0x14b: {  	p0 =	sne.s32 s0, $0x0;
	s0 =	rddreg [dreg:$0x4]  }
0x14c: {  	s0 =	sadd.s32 @!p0 $0x100000, s0  }
0x14d: {  	[sflag:s0] =	ssyncadd.tile.s32 @!p0 $0x1;
	_ =	shalt  }
.Lfunc_end2:
_tile_overlayer_lowered:
.L_overlay_start_2:
0x14e: {  	(tag) =	ssettag $0x2  }
0x14f: {  	s0 =	rddreg [dreg:$0x0];
	s2 =	stileid.u32  }
0x150: {  	s1 =	rddreg [dreg:$0x1];
	p0 =	sne.s32 s2, $0x0  }
0x151: {  	s3 =	rddreg [dreg:$0x2];
	[bflag:$0x3] =	sbarrier.arrive $0xFFFF;
	s2 =	simm.s32 @!p0 $0x1C01  }
0x152: {  	[timem:s3], [sflag:s2] =	dma.local @!p0 [hbm:s0], s1  }
0x153: {  	s0 =	simm.s32 @!p0 $0x1  }
0x154: {  	_ =	swait.ge @!p0 [sflag:s0], s1  }
0x155: {  	s1 =	ssub.s32 @!p0 $0x0, s1;
	[sflag:s0] =	ssyncset.done @!p0 $0x0  }
0x156: {  	[sflag:s0] =	ssyncadd.s32 @!p0 s1  }
0x157: {  	[bflag:$0x3] =	sbarrier.arrive $0xFFFF  }
0x158: {  	_ =	shalt  }

</sc_bundles>
